<compile_context>
chip_gen: v7x
topology: tpu7x:2x2x1
jax: 0.10.2.dev20260603
libtpu: 0.0.44.dev20260713+nightly
codegen_flags: <defaults>
</compile_context>

<pallas_src>
import jax
import jax.numpy as jnp
from jax.experimental import pallas as pl
from jax.experimental.pallas import tpu as pltpu
from jax.experimental.pallas import tpu_sc as plsc

B = 16
T = 512
H = 128
FWD = 48
RETRO = 16
NC = T - 3
NEG = float("-inf")

_GATHER_WINDOW = 256


def _sc_gather(emb, seq_flat):
    n = seq_flat.shape[1]
    mesh = plsc.VectorSubcoreMesh(core_axis_name="core",
                                  subcore_axis_name="subcore")

    @pl.kernel(out_type=jax.ShapeDtypeStruct((n, emb.shape[1]), emb.dtype),
               mesh=mesh)
    def gather_kernel(x_hbm, i_hbm, o_hbm):
        def body(i_vmem, o_vmem):
            pltpu.sync_copy(x_hbm.at[i_vmem.at[0]], o_vmem)

        pltpu.emit_pipeline(
            body,
            grid=(n // _GATHER_WINDOW,),
            in_specs=[pl.BlockSpec((1, _GATHER_WINDOW),
                                   index_map=lambda i: (0, i))],
            out_specs=[pl.BlockSpec((_GATHER_WINDOW, emb.shape[1]),
                                    index_map=lambda i: (i, 0))],
            core_axis_name=("core", "subcore"),
            dimension_semantics=(pltpu.PARALLEL,),
        )(i_hbm, o_hbm)

    return gather_kernel(emb, seq_flat)


_VTILE = 20480


def _fused_body(h0_ref, ffw1_ref, ffb1_ref, ffw2_ref, ffb2_ref,
                lng_ref, lnb_ref, fgw_ref, rw1_ref,
                rb1_ref, rw2_ref, qw_ref, qb_ref,
                w_ref, b_ref, o_ref, ctx_ref):
    @pl.when(pl.program_id(0) == 0)
    def _compute_ctx():
        h0 = h0_ref[...]
        ff1 = jnp.maximum(
            jnp.dot(h0, ffw1_ref[...], preferred_element_type=jnp.float32)
            + ffb1_ref[...], 0.0)
        ff = jnp.dot(ff1, ffw2_ref[...],
                     preferred_element_type=jnp.float32) + ffb2_ref[...]
        x = h0 + ff
        mu = jnp.mean(x, axis=-1, keepdims=True)
        xc = x - mu
        var = jnp.mean(xc * xc, axis=-1, keepdims=True)
        hidden = xc / jnp.sqrt(var + 1e-5) * lng_ref[...] + lnb_ref[...]

        h3 = hidden.reshape(B, T, H)
        iota = jax.lax.broadcasted_iota(jnp.int32, (B, T), 1)
        validc = iota < NC

        def col_scores(mat, wcol_ref):
            wrep = jnp.broadcast_to(wcol_ref[...], (H, H))
            s = jnp.dot(mat, wrep, preferred_element_type=jnp.float32)
            return jnp.max(s.reshape(B, T, H), axis=-1)

        fwd_s = col_scores(hidden, fgw_ref)
        fwd_s = jnp.where(validc, fwd_s, NEG)

        def extract(scores, k):
            def body(_, carry):
                sc, m = carry
                mx = jnp.max(sc, axis=1, keepdims=True)
                eq = sc == mx
                idx = jnp.min(jnp.where(eq, iota, T), axis=1, keepdims=True)
                sel = iota == idx
                return jnp.where(sel, NEG, sc), jnp.maximum(
                    m, jnp.where(sel, 1.0, 0.0))
            _, mask = jax.lax.fori_loop(
                0, k, body, (scores, jnp.zeros((B, T), jnp.float32)))
            return mask > 0.5

        fwd_mask = extract(fwd_s, FWD)

        context = jnp.mean(h3, axis=1)
        g1lin = jnp.dot(hidden, rw1_ref[0:H, :],
                        preferred_element_type=jnp.float32).reshape(B, T, H)
        cb = jnp.dot(context, rw1_ref[H:2 * H, :],
                     preferred_element_type=jnp.float32) + rb1_ref[...]
        g1 = jnp.maximum(g1lin + cb.reshape(B, 1, H), 0.0)
        z = col_scores(g1.reshape(B * T, H), rw2_ref)
        z = jnp.where(
            jnp.logical_and(validc, jnp.logical_not(fwd_mask)), z, NEG)
        retro_mask = extract(z, RETRO)

        sel = jnp.logical_or(fwd_mask, retro_mask)

        q = jnp.dot(h3[:, T - 2, :], qw_ref[...],
                    preferred_element_type=jnp.float32) + qb_ref[...]
        h3r = h3.astype(jnp.bfloat16).astype(jnp.float32)
        qr = q.astype(jnp.bfloat16).astype(jnp.float32)
        att = jnp.sum(h3r * qr.reshape(B, 1, H), axis=-1)
        att = jnp.where(sel, att, NEG)
        mx = jnp.max(att, axis=1, keepdims=True)
        e = jnp.exp(att - mx)
        attn = e / jnp.sum(e, axis=1, keepdims=True)
        ctx_ref[...] = jnp.sum(h3 * attn.reshape(B, T, 1), axis=1)

    o_ref[...] = jnp.dot(ctx_ref[...], w_ref[...],
                         preferred_element_type=jnp.float32) + b_ref[...]


def _fused(h0, ffw1, ffb1, ffw2, ffb2, lng, lnb, fgw, rw1, rb1,
           rw2, qw, qb, out_w, out_b2):
    vocab = out_w.shape[1]
    whole = pl.BlockSpec(index_map=lambda i: (0, 0))
    return pl.pallas_call(
        _fused_body,
        grid=(pl.cdiv(vocab, _VTILE),),
        in_specs=[
            pl.BlockSpec((B * T, H), lambda i: (0, 0)),
            whole, whole, whole, whole, whole, whole, whole, whole,
            whole, whole, whole, whole,
            pl.BlockSpec((H, _VTILE), lambda i: (0, i)),
            pl.BlockSpec((1, _VTILE), lambda i: (0, i)),
        ],
        out_specs=pl.BlockSpec((B, _VTILE), lambda i: (0, i)),
        out_shape=jax.ShapeDtypeStruct((B, vocab), jnp.float32),
        scratch_shapes=[pltpu.VMEM((B, H), jnp.float32)],
        compiler_params=pltpu.CompilerParams(
            dimension_semantics=("arbitrary",)),
    )(h0, ffw1, ffb1, ffw2, ffb2, lng, lnb, fgw, rw1, rb1,
      rw2, qw, qb, out_w, out_b2)


def kernel(seq, emb, ff_w1, ff_b1, ff_w2, ff_b2, ln_g, ln_b, fg_w, fg_b,
           rev_w1, rev_b1, rev_w2, rev_b2, q_w, q_b, out_w, out_b):
    h0 = _sc_gather(emb, seq.reshape(1, B * T).astype(jnp.int32))
    return _fused(
        h0,
        ff_w1, ff_b1.reshape(1, 2 * H), ff_w2, ff_b2.reshape(1, H),
        ln_g.reshape(1, H), ln_b.reshape(1, H),
        fg_w,
        rev_w1, rev_b1.reshape(1, H),
        rev_w2,
        q_w, q_b.reshape(1, H),
        out_w, out_b.reshape(1, out_w.shape[1]),
    )

# --- scband reference (transcript-rebuilt; emitter-appended) ---
"""Pipeline reference for scband-scaling-model-35270271435267 (READ-ONLY COPY).

The authoritative reference and input builder live on the scoring server;
editing this copy changes nothing except your own understanding.
"""

import jax, jax.numpy as jnp
import numpy as np

VOCAB = 100000
H = 128
MEM = 64
FWD = 48
RETRO = MEM - FWD
B = 16
T = 512


def _layernorm(x, g, b, eps=1e-5):
    mu = x.mean(-1, keepdims=True)
    var = ((x - mu) ** 2).mean(-1, keepdims=True)
    return (x - mu) / jnp.sqrt(var + eps) * g + b


def setup_inputs(seed: int = 0) -> dict:
    key = jax.random.key(seed)
    ks = jax.random.split(key, 20)

    def nrm(k, shape, s=0.02):
        return jax.random.normal(k, shape, dtype=jnp.float32) * s

    return {
        "seq": jax.random.randint(ks[0], (B, T), 0, VOCAB, dtype=jnp.int32),
        "emb": nrm(ks[1], (VOCAB, H)),
        "ff_w1": nrm(ks[2], (H, 2 * H)),
        "ff_b1": jnp.zeros((2 * H,), jnp.float32),
        "ff_w2": nrm(ks[3], (2 * H, H)),
        "ff_b2": jnp.zeros((H,), jnp.float32),
        "ln_g": jnp.ones((H,), jnp.float32),
        "ln_b": jnp.zeros((H,), jnp.float32),
        "fg_w": nrm(ks[4], (H, 1)),
        "fg_b": jnp.zeros((1,), jnp.float32),
        "rev_w1": nrm(ks[5], (2 * H, H)),
        "rev_b1": jnp.zeros((H,), jnp.float32),
        "rev_w2": nrm(ks[6], (H, 1)),
        "rev_b2": jnp.zeros((1,), jnp.float32),
        "q_w": nrm(ks[7], (H, H)),
        "q_b": jnp.zeros((H,), jnp.float32),
        "out_w": nrm(ks[8], (H, VOCAB)),
        "out_b": jnp.zeros((VOCAB,), jnp.float32),
    }


def reference(seq, emb, ff_w1, ff_b1, ff_w2, ff_b2, ln_g, ln_b, fg_w, fg_b,
              rev_w1, rev_b1, rev_w2, rev_b2, q_w, q_b, out_w, out_b):
    # Encoder
    h0 = jnp.take(emb, seq, axis=0)                      # [B, T, H] gather
    ff = jax.nn.relu(h0 @ ff_w1 + ff_b1) @ ff_w2 + ff_b2
    hidden = _layernorm(h0 + ff, ln_g, ln_b)             # [B, T, H]
    Bn, Tn, Hd = hidden.shape

    cand = hidden[:, :-3, :]                             # [B, n_cand, H]
    n_cand = cand.shape[1]
    fwd_scores = (cand @ fg_w).squeeze(-1) + fg_b[0]     # [B, n_cand]
    k = min(FWD, n_cand)
    _, fwd_idx = jax.lax.top_k(fwd_scores, k)            # [B, k]
    fwd_idx_sorted = jnp.sort(fwd_idx, axis=1)
    fwd_h = jnp.take_along_axis(hidden, fwd_idx_sorted[..., None], axis=1)  # [B, k, H]

    context = hidden.mean(axis=1)                        # [B, H]
    # retroactive revision gate over all candidates, excluding forward-selected ones
    gate_in = jnp.concatenate([cand, jnp.broadcast_to(context[:, None, :], cand.shape)], axis=-1)
    g1 = jax.nn.relu(gate_in @ rev_w1 + rev_b1)
    gsc = jax.nn.sigmoid((g1 @ rev_w2).squeeze(-1) + rev_b2[0])  # [B, n_cand]
    in_fwd = jnp.zeros((Bn, n_cand), dtype=jnp.bool_).at[
        jnp.arange(Bn)[:, None], fwd_idx].set(True)
    masked = jnp.where(in_fwd, -jnp.inf, gsc)
    _, retro_idx = jax.lax.top_k(masked, RETRO)          # [B, RETRO]
    retro_h = jnp.take_along_axis(hidden, retro_idx[..., None], axis=1)

    memory = jnp.concatenate([fwd_h, retro_h], axis=1)   # [B, MEM, H]
    mask = jnp.ones((Bn, MEM), dtype=jnp.float32)        # slots always full here

    # ReadHead
    query_h = hidden[:, -2, :]
    q = query_h @ q_w + q_b
    scores = jnp.einsum('bmh,bh->bm', memory, q)
    scores = jnp.where(mask == 0, -1e9, scores)
    attn = jax.nn.softmax(scores, axis=-1)
    ctx = (attn[..., None] * memory).sum(axis=1)
    return ctx @ out_w + out_b                           # [B, VOCAB]

if __name__ == "__main__":
    import jax
    _d = setup_inputs()
    print(jax.jit(kernel)(*tuple(_d.values())))

</pallas_src>

<mosaic_0001>
#map = affine_map<(d0, d1) -> (0, 0)>
module attributes {stable_mosaic.version = 14 : i64} {
  func.func @gather_kernel(%arg0: i32, %arg1: i32, %arg2: memref<100000x128xf32, #tpu.memory_space<hbm>>, %arg3: memref<1x8192xi32, #tpu.memory_space<hbm>>, %arg4: memref<8192x128xf32, #tpu.memory_space<hbm>>) attributes {dimension_semantics = [#tpu.dimension_semantics<core_parallel>, #tpu.dimension_semantics<subcore_parallel>], iteration_bounds = array<i64: 2, 16>, scalar_prefetch = 0 : i64, scratch_operands = 0 : i64, tpu.core_type = #tpu.core_type<sc_vector_subcore>, window_params = [{transform_indices = #map}, {transform_indices = #map}, {transform_indices = #map}]} {
    %mul3A = arith.constant 1 : i32
    %mul3A_0 = arith.muli %arg1, %mul3A : i32
    %add3A = arith.constant 0 : i32
    %add3A_1 = arith.addi %add3A, %mul3A_0 : i32
    %mul3A_2 = arith.constant 16 : i32
    %mul3A_3 = arith.muli %arg0, %mul3A_2 : i32
    %add3A_4 = arith.addi %add3A_1, %mul3A_3 : i32
    %mul3A_5 = arith.constant 1 : i32
    %mul3A_6 = arith.muli %add3A_4, %mul3A_5 : i32
    "tpu.region"() ({
      %run_scoped3A = memref.alloca() : memref<2x1x256xi32, #tpu.memory_space<vmem>>
      %run_scoped3A_7 = tpu.sem_alloc : memref<2x!tpu.dma_semaphore, #tpu.memory_space<semaphore_mem>>
      %run_scoped3A_8 = memref.alloca() : memref<2x256x128xf32, #tpu.memory_space<vmem>>
      %run_scoped3A_9 = tpu.sem_alloc : memref<2x!tpu.dma_semaphore, #tpu.memory_space<semaphore_mem>>
      %add3A_10 = arith.constant 0 : i32
      %add3A_11 = arith.addi %add3A_10, %mul3A_6 : i32
      %select_n3A = arith.constant true
      %select_n3A_12 = arith.constant 0 : i32
      %select_n3A_13 = arith.constant -1 : i32
      %select_n3A_14 = arith.select %select_n3A, %select_n3A_13, %select_n3A_12 : i32
      %eq3A = arith.constant -1 : i32
      %eq3A_15 = arith.cmpi eq, %select_n3A_14, %eq3A : i32
      %select_n3A_16 = arith.constant 0 : i32
      %select_n3A_17 = arith.select %eq3A_15, %select_n3A_16, %select_n3A_14 : i32
      %add3A_18 = arith.constant 0 : i32
      %add3A_19 = arith.addi %add3A_18, %mul3A_6 : i32
      %select_n3A_20 = arith.constant true
      %select_n3A_21 = arith.constant 0 : i32
      %select_n3A_22 = arith.constant 1 : i32
      %select_n3A_23 = arith.select %select_n3A_20, %select_n3A_22, %select_n3A_21 : i32
      %eq3A_24 = arith.constant 1 : i32
      %eq3A_25 = arith.cmpi eq, %select_n3A_23, %eq3A_24 : i32
      %select_n3A_26 = arith.constant 0 : i32
      %select_n3A_27 = arith.select %eq3A_25, %select_n3A_26, %select_n3A_23 : i32
      %add3A_28 = arith.constant 0 : i32
      %add3A_29 = arith.addi %add3A_28, %mul3A_6 : i32
      %select_n3A_30 = arith.constant true
      %select_n3A_31 = arith.constant 0 : i32
      %select_n3A_32 = arith.constant 1 : i32
      %select_n3A_33 = arith.select %select_n3A_30, %select_n3A_32, %select_n3A_31 : i32
      %eq3A_34 = arith.constant 1 : i32
      %eq3A_35 = arith.cmpi eq, %select_n3A_33, %eq3A_34 : i32
      %select_n3A_36 = arith.constant 0 : i32
      %select_n3A_37 = arith.select %eq3A_35, %select_n3A_36, %select_n3A_33 : i32
      %add3A_38 = arith.constant 0 : i32
      %add3A_39 = arith.addi %add3A_38, %mul3A_6 : i32
      "tpu.trace_start"() <{level = 10 : i32, message = "ep_initialize_0"}> : () -> ()
      %rem3A = arith.constant 0 : i32
      %rem3A_40 = arith.constant 2 : i32
      %rem3A_41 = arith.remui %rem3A, %rem3A_40 : i32
      %mul3A_42 = arith.constant 256 : i32
      %mul3A_43 = arith.muli %mul3A_42, %add3A_11 : i32
      %dma_start3A = arith.constant 0 : i32
      %dma_start3A_44 = arith.constant 0 : i32
      %dma_start3A_45 = tpu.memref_slice %run_scoped3A[%rem3A_41, %dma_start3A, %dma_start3A_44] : memref<2x1x256xi32, #tpu.memory_space<vmem>> -> memref<1x1x256xi32, #tpu.memory_space<vmem>>
      %dma_start3A_46 = tpu.memref_squeeze %dma_start3A_45 : memref<1x1x256xi32, #tpu.memory_space<vmem>> -> memref<1x256xi32, #tpu.memory_space<vmem>>
      %dma_start3A_47 = arith.constant 0 : i32
      %dma_start3A_48 = tpu.memref_slice %arg3[%dma_start3A_47, %mul3A_43] : memref<1x8192xi32, #tpu.memory_space<hbm>> -> memref<1x256xi32, #tpu.memory_space<hbm>>
      %dma_start3A_49 = tpu.memref_slice %run_scoped3A_7[%rem3A_41] : memref<2x!tpu.dma_semaphore, #tpu.memory_space<semaphore_mem>> -> memref<1x!tpu.dma_semaphore, #tpu.memory_space<semaphore_mem>>
      %dma_start3A_50 = tpu.memref_squeeze %dma_start3A_49 : memref<1x!tpu.dma_semaphore, #tpu.memory_space<semaphore_mem>> -> memref<!tpu.dma_semaphore, #tpu.memory_space<semaphore_mem>>
      %dma_start3A_51 = arith.constant 0 : i32
      %dma_start3A_52 = arith.constant 0 : i32
      %dma_start3A_53 = tpu.memref_slice %run_scoped3A[%rem3A_41, %dma_start3A_51, %dma_start3A_52] : memref<2x1x256xi32, #tpu.memory_space<vmem>> -> memref<1x1x256xi32, #tpu.memory_space<vmem>>
      %dma_start3A_54 = tpu.memref_squeeze %dma_start3A_53 : memref<1x1x256xi32, #tpu.memory_space<vmem>> -> memref<1x256xi32, #tpu.memory_space<vmem>>
      %dma_start3A_55 = arith.constant 0 : i32
      %dma_start3A_56 = tpu.memref_slice %arg3[%dma_start3A_55, %mul3A_43] : memref<1x8192xi32, #tpu.memory_space<hbm>> -> memref<1x256xi32, #tpu.memory_space<hbm>>
      tpu.enqueue_dma source(%dma_start3A_56 : memref<1x256xi32, #tpu.memory_space<hbm>>) target(%dma_start3A_54 : memref<1x256xi32, #tpu.memory_space<vmem>>) target_semaphore(%dma_start3A_50 : memref<!tpu.dma_semaphore, #tpu.memory_space<semaphore_mem>>)
      %add3A_57 = arith.constant 0 : i32
      %add3A_58 = arith.constant 1 : i32
      %add3A_59 = arith.addi %add3A_57, %add3A_58 : i32
      %select_n3A_60 = arith.constant true
      %select_n3A_61 = arith.constant 0 : i32
      %select_n3A_62 = arith.select %select_n3A_60, %add3A_59, %select_n3A_61 : i32
      "tpu.trace_stop"() : () -> ()
      %scan3A = arith.constant 0 : i32
      %scan3A_63 = arith.constant 0 : i32
      %scan3A_64 = arith.constant 0 : i32
      %scan3A_65 = arith.constant 0 : i32
      %scan3A_66 = arith.constant 0 : i32
      %eq3A_67 = arith.constant 0 : i32
      %eq3A_68 = arith.cmpi eq, %scan3A_66, %eq3A_67 : i32
      %eq3A_69 = arith.constant 0 : i32
      %eq3A_70 = arith.cmpi eq, %scan3A_66, %eq3A_69 : i32
      %add3A_71 = arith.constant 0 : i32
      %add3A_72 = arith.addi %add3A_71, %mul3A_6 : i32
      %select_n3A_73 = arith.constant true
      %select_n3A_74 = arith.constant 0 : i32
      %select_n3A_75 = arith.constant -1 : i32
      %select_n3A_76 = arith.select %select_n3A_73, %select_n3A_75, %select_n3A_74 : i32
      %eq3A_77 = arith.constant -1 : i32
      %eq3A_78 = arith.cmpi eq, %select_n3A_76, %eq3A_77 : i32
      %select_n3A_79 = arith.constant 0 : i32
      %select_n3A_80 = arith.select %eq3A_78, %select_n3A_79, %select_n3A_76 : i32
      %add3A_81 = arith.constant 0 : i32
      %add3A_82 = arith.addi %add3A_81, %mul3A_6 : i32
      %select_n3A_83 = arith.constant true
      %select_n3A_84 = arith.constant 0 : i32
      %select_n3A_85 = arith.constant 1 : i32
      %select_n3A_86 = arith.select %select_n3A_83, %select_n3A_85, %select_n3A_84 : i32
      %eq3A_87 = arith.constant 1 : i32
      %eq3A_88 = arith.cmpi eq, %select_n3A_86, %eq3A_87 : i32
      %select_n3A_89 = arith.constant 0 : i32
      %select_n3A_90 = arith.select %eq3A_88, %select_n3A_89, %select_n3A_86 : i32
      %add3A_91 = arith.constant 0 : i32
      %add3A_92 = arith.addi %add3A_91, %mul3A_6 : i32
      %select_n3A_93 = arith.constant true
      %select_n3A_94 = arith.constant 0 : i32
      %select_n3A_95 = arith.constant 1 : i32
      %select_n3A_96 = arith.select %select_n3A_93, %select_n3A_95, %select_n3A_94 : i32
      %eq3A_97 = arith.constant 1 : i32
      %eq3A_98 = arith.cmpi eq, %select_n3A_96, %eq3A_97 : i32
      %select_n3A_99 = arith.constant 0 : i32
      %select_n3A_100 = arith.select %eq3A_98, %select_n3A_99, %select_n3A_96 : i32
      %add3A_101 = arith.constant 0 : i32
      %add3A_102 = arith.addi %add3A_101, %mul3A_6 : i32
      %ne3A = arith.cmpi ne, %add3A_72, %add3A_92 : i32
      %or3A = arith.constant false
      %or3A_103 = arith.ori %or3A, %ne3A : i1
      %ge3A = arith.constant 0 : i32
      %ge3A_104 = arith.cmpi sge, %scan3A_66, %ge3A : i32
      %not3A = arith.constant true
      %not3A_105 = arith.xori %ge3A_104, %not3A : i1
      %and3A = arith.andi %or3A_103, %not3A_105 : i1
      %convert_element_type3A = arith.extui %and3A : i1 to i32
      %cond3A = arith.constant 0 : i32
      %cond3A_106 = arith.cmpi ne, %convert_element_type3A, %cond3A : i32
      scf.if %cond3A_106 {
        "tpu.trace_start"() <{level = 10 : i32, message = "ep_copy_in"}> : () -> ()
        %rem3A_266 = arith.constant 2 : i32
        %rem3A_267 = arith.remui %select_n3A_62, %rem3A_266 : i32
        %mul3A_268 = arith.constant 256 : i32
        %mul3A_269 = arith.muli %mul3A_268, %add3A_92 : i32
        %dma_start3A_270 = arith.constant 0 : i32
        %dma_start3A_271 = arith.constant 0 : i32
        %dma_start3A_272 = tpu.memref_slice %run_scoped3A[%rem3A_267, %dma_start3A_270, %dma_start3A_271] : memref<2x1x256xi32, #tpu.memory_space<vmem>> -> memref<1x1x256xi32, #tpu.memory_space<vmem>>
        %dma_start3A_273 = tpu.memref_squeeze %dma_start3A_272 : memref<1x1x256xi32, #tpu.memory_space<vmem>> -> memref<1x256xi32, #tpu.memory_space<vmem>>
        %dma_start3A_274 = arith.constant 0 : i32
        %dma_start3A_275 = tpu.memref_slice %arg3[%dma_start3A_274, %mul3A_269] : memref<1x8192xi32, #tpu.memory_space<hbm>> -> memref<1x256xi32, #tpu.memory_space<hbm>>
        %dma_start3A_276 = tpu.memref_slice %run_scoped3A_7[%rem3A_267] : memref<2x!tpu.dma_semaphore, #tpu.memory_space<semaphore_mem>> -> memref<1x!tpu.dma_semaphore, #tpu.memory_space<semaphore_mem>>
        %dma_start3A_277 = tpu.memref_squeeze %dma_start3A_276 : memref<1x!tpu.dma_semaphore, #tpu.memory_space<semaphore_mem>> -> memref<!tpu.dma_semaphore, #tpu.memory_space<semaphore_mem>>
        %dma_start3A_278 = arith.constant 0 : i32
        %dma_start3A_279 = arith.constant 0 : i32
        %dma_start3A_280 = tpu.memref_slice %run_scoped3A[%rem3A_267, %dma_start3A_278, %dma_start3A_279] : memref<2x1x256xi32, #tpu.memory_space<vmem>> -> memref<1x1x256xi32, #tpu.memory_space<vmem>>
        %dma_start3A_281 = tpu.memref_squeeze %dma_start3A_280 : memref<1x1x256xi32, #tpu.memory_space<vmem>> -> memref<1x256xi32, #tpu.memory_space<vmem>>
        %dma_start3A_282 = arith.constant 0 : i32
        %dma_start3A_283 = tpu.memref_slice %arg3[%dma_start3A_282, %mul3A_269] : memref<1x8192xi32, #tpu.memory_space<hbm>> -> memref<1x256xi32, #tpu.memory_space<hbm>>
        tpu.enqueue_dma source(%dma_start3A_283 : memref<1x256xi32, #tpu.memory_space<hbm>>) target(%dma_start3A_281 : memref<1x256xi32, #tpu.memory_space<vmem>>) target_semaphore(%dma_start3A_277 : memref<!tpu.dma_semaphore, #tpu.memory_space<semaphore_mem>>)
        "tpu.trace_stop"() : () -> ()
      } else {
      }
      %and3A_107 = arith.constant true
      %and3A_108 = arith.andi %and3A, %and3A_107 : i1
      %add3A_109 = arith.constant 1 : i32
      %add3A_110 = arith.addi %select_n3A_62, %add3A_109 : i32
      %select_n3A_111 = arith.select %and3A_108, %add3A_110, %select_n3A_62 : i32
      %ne3A_112 = arith.cmpi ne, %add3A_72, %add3A_92 : i32
      %or3A_113 = arith.constant false
      %or3A_114 = arith.ori %or3A_113, %ne3A_112 : i1
      %or3A_115 = arith.constant false
      %or3A_116 = arith.ori %or3A_114, %or3A_115 : i1
      %ge3A_117 = arith.constant 0 : i32
      %ge3A_118 = arith.cmpi sge, %scan3A_66, %ge3A_117 : i32
      %not3A_119 = arith.constant true
      %not3A_120 = arith.xori %ge3A_118, %not3A_119 : i1
      %and3A_121 = arith.andi %or3A_116, %not3A_120 : i1
      %ne3A_122 = arith.cmpi ne, %add3A_72, %add3A_82 : i32
      %or3A_123 = arith.constant false
      %or3A_124 = arith.ori %or3A_123, %ne3A_122 : i1
      %or3A_125 = arith.ori %or3A_124, %eq3A_68 : i1
      %convert_element_type3A_126 = arith.extui %or3A_125 : i1 to i32
      %cond3A_127 = arith.constant 0 : i32
      %cond3A_128 = arith.cmpi ne, %convert_element_type3A_126, %cond3A_127 : i32
      scf.if %cond3A_128 {
        "tpu.trace_start"() <{level = 10 : i32, message = "ep_wait_in"}> : () -> ()
        %mul3A_266 = arith.constant 256 : i32
        %mul3A_267 = arith.muli %mul3A_266, %add3A_72 : i32
        %rem3A_268 = arith.constant 2 : i32
        %rem3A_269 = arith.remui %scan3A, %rem3A_268 : i32
        %dma_wait3A_270 = arith.constant 0 : i32
        %dma_wait3A_271 = arith.constant 0 : i32
        %dma_wait3A_272 = tpu.memref_slice %run_scoped3A[%rem3A_269, %dma_wait3A_270, %dma_wait3A_271] : memref<2x1x256xi32, #tpu.memory_space<vmem>> -> memref<1x1x256xi32, #tpu.memory_space<vmem>>
        %dma_wait3A_273 = tpu.memref_squeeze %dma_wait3A_272 : memref<1x1x256xi32, #tpu.memory_space<vmem>> -> memref<1x256xi32, #tpu.memory_space<vmem>>
        %dma_wait3A_274 = arith.constant 0 : i32
        %dma_wait3A_275 = tpu.memref_slice %arg3[%dma_wait3A_274, %mul3A_267] : memref<1x8192xi32, #tpu.memory_space<hbm>> -> memref<1x256xi32, #tpu.memory_space<hbm>>
        %dma_wait3A_276 = tpu.memref_slice %run_scoped3A_7[%rem3A_269] : memref<2x!tpu.dma_semaphore, #tpu.memory_space<semaphore_mem>> -> memref<1x!tpu.dma_semaphore, #tpu.memory_space<semaphore_mem>>
        %dma_wait3A_277 = tpu.memref_squeeze %dma_wait3A_276 : memref<1x!tpu.dma_semaphore, #tpu.memory_space<semaphore_mem>> -> memref<!tpu.dma_semaphore, #tpu.memory_space<semaphore_mem>>
        %dma_wait3A_278 = arith.constant 0 : i32
        %dma_wait3A_279 = arith.constant 0 : i32
        %dma_wait3A_280 = tpu.memref_slice %run_scoped3A[%rem3A_269, %dma_wait3A_278, %dma_wait3A_279] : memref<2x1x256xi32, #tpu.memory_space<vmem>> -> memref<1x1x256xi32, #tpu.memory_space<vmem>>
        %dma_wait3A_281 = tpu.memref_squeeze %dma_wait3A_280 : memref<1x1x256xi32, #tpu.memory_space<vmem>> -> memref<1x256xi32, #tpu.memory_space<vmem>>
        %dma_wait3A_282 = arith.constant 0 : i32
        %dma_wait3A_283 = tpu.memref_slice %arg3[%dma_wait3A_282, %mul3A_267] : memref<1x8192xi32, #tpu.memory_space<hbm>> -> memref<1x256xi32, #tpu.memory_space<hbm>>
        tpu.wait_dma2 semaphore(%dma_wait3A_277 : memref<!tpu.dma_semaphore, #tpu.memory_space<semaphore_mem>>) src(%dma_wait3A_283 : memref<1x256xi32, #tpu.memory_space<hbm>>) dst(%dma_wait3A_281 : memref<1x256xi32, #tpu.memory_space<vmem>>)
        "tpu.trace_stop"() : () -> ()
      } else {
      }
      %ne3A_129 = arith.cmpi ne, %add3A_72, %add3A_82 : i32
      %or3A_130 = arith.constant false
      %or3A_131 = arith.ori %or3A_130, %ne3A_129 : i1
      %or3A_132 = arith.constant false
      %or3A_133 = arith.ori %or3A_131, %or3A_132 : i1
      %or3A_134 = arith.ori %or3A_133, %eq3A_68 : i1
      %convert_element_type3A_135 = arith.extui %or3A_134 : i1 to i32
      %cond3A_136 = arith.constant 0 : i32
      %cond3A_137 = arith.cmpi ne, %convert_element_type3A_135, %cond3A_136 : i32
      scf.if %cond3A_137 {
      } else {
      }
      %rem3A_138 = arith.constant 2 : i32
      %rem3A_139 = arith.remui %scan3A, %rem3A_138 : i32
      %rem3A_140 = arith.constant 2 : i32
      %rem3A_141 = arith.remui %scan3A_63, %rem3A_140 : i32
      %run_scoped3A_142 = arith.constant 0 : i32
      "tpu.trace_start"() <{level = 10 : i32, message = "ep_run_kernel"}> : () -> ()
      "tpu.region"() ({
        %run_scoped3A_266 = tpu.sem_alloc : memref<!tpu.dma_semaphore, #tpu.memory_space<semaphore_mem>>
        %dma_start3A_267 = arith.constant 0 : i32
        %dma_start3A_268 = arith.constant 0 : i32
        %dma_start3A_269 = tpu.memref_slice %run_scoped3A_8[%rem3A_141, %dma_start3A_267, %dma_start3A_268] : memref<2x256x128xf32, #tpu.memory_space<vmem>> -> memref<1x256x128xf32, #tpu.memory_space<vmem>>
        %dma_start3A_270 = tpu.memref_squeeze %dma_start3A_269 : memref<1x256x128xf32, #tpu.memory_space<vmem>> -> memref<256x128xf32, #tpu.memory_space<vmem>>
        %dma_start3A_271 = arith.constant 0 : i32
        %dma_start3A_272 = arith.constant 0 : i32
        %dma_start3A_273 = tpu.memref_slice %run_scoped3A[%rem3A_139, %dma_start3A_271, %dma_start3A_272] : memref<2x1x256xi32, #tpu.memory_space<vmem>> -> memref<1x1x256xi32, #tpu.memory_space<vmem>>
        %dma_start3A_274 = tpu.memref_squeeze %dma_start3A_273 : memref<1x1x256xi32, #tpu.memory_space<vmem>> -> memref<1x256xi32, #tpu.memory_space<vmem>>
        %dma_start3A_275 = arith.constant 0 : i32
        %dma_start3A_276 = tpu.memref_slice %dma_start3A_274[%run_scoped3A_142, %dma_start3A_275] : memref<1x256xi32, #tpu.memory_space<vmem>> -> memref<1x256xi32, #tpu.memory_space<vmem>>
        %dma_start3A_277 = tpu.memref_squeeze %dma_start3A_276 : memref<1x256xi32, #tpu.memory_space<vmem>> -> memref<256xi32, #tpu.memory_space<vmem>>
        %dma_start3A_278 = arith.constant 0 : i32
        %dma_start3A_279 = arith.constant 0 : i32
        %dma_start3A_280 = tpu.memref_slice %arg2[%dma_start3A_278, %dma_start3A_279] : memref<100000x128xf32, #tpu.memory_space<hbm>> -> memref<100000x128xf32, #tpu.memory_space<hbm>>
        tpu.enqueue_indirect_dma source(%dma_start3A_280 : memref<100000x128xf32, #tpu.memory_space<hbm>>) target(%dma_start3A_270 : memref<256x128xf32, #tpu.memory_space<vmem>>) offsets(%dma_start3A_277 : memref<256xi32, #tpu.memory_space<vmem>>) semaphore(%run_scoped3A_266 : memref<!tpu.dma_semaphore, #tpu.memory_space<semaphore_mem>>)
        %dma_wait3A_281 = arith.constant 0 : i32
        %dma_wait3A_282 = arith.constant 0 : i32
        %dma_wait3A_283 = tpu.memref_slice %run_scoped3A_8[%rem3A_141, %dma_wait3A_281, %dma_wait3A_282] : memref<2x256x128xf32, #tpu.memory_space<vmem>> -> memref<1x256x128xf32, #tpu.memory_space<vmem>>
        %dma_wait3A_284 = tpu.memref_squeeze %dma_wait3A_283 : memref<1x256x128xf32, #tpu.memory_space<vmem>> -> memref<256x128xf32, #tpu.memory_space<vmem>>
        %dma_wait3A_285 = arith.constant 0 : i32
        %dma_wait3A_286 = arith.constant 0 : i32
        %dma_wait3A_287 = tpu.memref_slice %run_scoped3A[%rem3A_139, %dma_wait3A_285, %dma_wait3A_286] : memref<2x1x256xi32, #tpu.memory_space<vmem>> -> memref<1x1x256xi32, #tpu.memory_space<vmem>>
        %dma_wait3A_288 = tpu.memref_squeeze %dma_wait3A_287 : memref<1x1x256xi32, #tpu.memory_space<vmem>> -> memref<1x256xi32, #tpu.memory_space<vmem>>
        %dma_wait3A_289 = arith.constant 0 : i32
        %dma_wait3A_290 = tpu.memref_slice %dma_wait3A_288[%run_scoped3A_142, %dma_wait3A_289] : memref<1x256xi32, #tpu.memory_space<vmem>> -> memref<1x256xi32, #tpu.memory_space<vmem>>
        %dma_wait3A_291 = tpu.memref_squeeze %dma_wait3A_290 : memref<1x256xi32, #tpu.memory_space<vmem>> -> memref<256xi32, #tpu.memory_space<vmem>>
        %dma_wait3A_292 = arith.constant 0 : i32
        %dma_wait3A_293 = arith.constant 0 : i32
        %dma_wait3A_294 = tpu.memref_slice %arg2[%dma_wait3A_292, %dma_wait3A_293] : memref<100000x128xf32, #tpu.memory_space<hbm>> -> memref<100000x128xf32, #tpu.memory_space<hbm>>
        tpu.wait_indirect_dma semaphore(%run_scoped3A_266 : memref<!tpu.dma_semaphore, #tpu.memory_space<semaphore_mem>>) src(%dma_wait3A_294 : memref<100000x128xf32, #tpu.memory_space<hbm>>) dst(%dma_wait3A_284 : memref<256x128xf32, #tpu.memory_space<vmem>>)
        tpu.yield
      }) : () -> ()
      "tpu.trace_stop"() : () -> ()
      %ne3A_143 = arith.cmpi ne, %add3A_72, %add3A_92 : i32
      %or3A_144 = arith.constant false
      %or3A_145 = arith.ori %or3A_144, %ne3A_143 : i1
      %or3A_146 = arith.ori %or3A_145, %eq3A_70 : i1
      %convert_element_type3A_147 = arith.extui %or3A_146 : i1 to i32
      %cond3A_148 = arith.constant 0 : i32
      %cond3A_149 = arith.cmpi ne, %convert_element_type3A_147, %cond3A_148 : i32
      scf.if %cond3A_149 {
      } else {
      }
      %and3A_150 = arith.constant false
      %and3A_151 = arith.andi %or3A_146, %and3A_150 : i1
      %ne3A_152 = arith.cmpi ne, %add3A_72, %add3A_92 : i32
      %or3A_153 = arith.constant false
      %or3A_154 = arith.ori %or3A_153, %ne3A_152 : i1
      %or3A_155 = arith.constant false
      %or3A_156 = arith.ori %or3A_154, %or3A_155 : i1
      %or3A_157 = arith.ori %or3A_156, %eq3A_70 : i1
      %convert_element_type3A_158 = arith.extui %or3A_157 : i1 to i32
      %cond3A_159 = arith.constant 0 : i32
      %cond3A_160 = arith.cmpi ne, %convert_element_type3A_158, %cond3A_159 : i32
      scf.if %cond3A_160 {
        "tpu.trace_start"() <{level = 10 : i32, message = "ep_copy_out"}> : () -> ()
        %rem3A_266 = arith.constant 2 : i32
        %rem3A_267 = arith.remui %scan3A_63, %rem3A_266 : i32
        %mul3A_268 = arith.constant 256 : i32
        %mul3A_269 = arith.muli %mul3A_268, %add3A_72 : i32
        %dma_start3A_270 = arith.constant 0 : i32
        %dma_start3A_271 = arith.constant 0 : i32
        %dma_start3A_272 = tpu.memref_slice %run_scoped3A_8[%rem3A_267, %dma_start3A_270, %dma_start3A_271] : memref<2x256x128xf32, #tpu.memory_space<vmem>> -> memref<1x256x128xf32, #tpu.memory_space<vmem>>
        %dma_start3A_273 = tpu.memref_squeeze %dma_start3A_272 : memref<1x256x128xf32, #tpu.memory_space<vmem>> -> memref<256x128xf32, #tpu.memory_space<vmem>>
        %dma_start3A_274 = arith.constant 0 : i32
        %dma_start3A_275 = tpu.memref_slice %arg4[%mul3A_269, %dma_start3A_274] : memref<8192x128xf32, #tpu.memory_space<hbm>> -> memref<256x128xf32, #tpu.memory_space<hbm>>
        %dma_start3A_276 = tpu.memref_slice %run_scoped3A_9[%rem3A_267] : memref<2x!tpu.dma_semaphore, #tpu.memory_space<semaphore_mem>> -> memref<1x!tpu.dma_semaphore, #tpu.memory_space<semaphore_mem>>
        %dma_start3A_277 = tpu.memref_squeeze %dma_start3A_276 : memref<1x!tpu.dma_semaphore, #tpu.memory_space<semaphore_mem>> -> memref<!tpu.dma_semaphore, #tpu.memory_space<semaphore_mem>>
        %dma_start3A_278 = arith.constant 0 : i32
        %dma_start3A_279 = tpu.memref_slice %arg4[%mul3A_269, %dma_start3A_278] : memref<8192x128xf32, #tpu.memory_space<hbm>> -> memref<256x128xf32, #tpu.memory_space<hbm>>
        %dma_start3A_280 = arith.constant 0 : i32
        %dma_start3A_281 = arith.constant 0 : i32
        %dma_start3A_282 = tpu.memref_slice %run_scoped3A_8[%rem3A_267, %dma_start3A_280, %dma_start3A_281] : memref<2x256x128xf32, #tpu.memory_space<vmem>> -> memref<1x256x128xf32, #tpu.memory_space<vmem>>
        %dma_start3A_283 = tpu.memref_squeeze %dma_start3A_282 : memref<1x256x128xf32, #tpu.memory_space<vmem>> -> memref<256x128xf32, #tpu.memory_space<vmem>>
        tpu.enqueue_dma source(%dma_start3A_283 : memref<256x128xf32, #tpu.memory_space<vmem>>) target(%dma_start3A_279 : memref<256x128xf32, #tpu.memory_space<hbm>>) target_semaphore(%dma_start3A_277 : memref<!tpu.dma_semaphore, #tpu.memory_space<semaphore_mem>>)
        "tpu.trace_stop"() : () -> ()
      } else {
      }
      %and3A_161 = arith.constant true
      %and3A_162 = arith.andi %or3A_157, %and3A_161 : i1
      %add3A_163 = arith.constant 1 : i32
      %add3A_164 = arith.addi %scan3A_63, %add3A_163 : i32
      %select_n3A_165 = arith.select %and3A_162, %add3A_164, %scan3A_63 : i32
      %ne3A_166 = arith.cmpi ne, %add3A_72, %add3A_82 : i32
      %or3A_167 = arith.constant false
      %or3A_168 = arith.ori %or3A_167, %ne3A_166 : i1
      %not3A_169 = arith.constant true
      %not3A_170 = arith.xori %eq3A_68, %not3A_169 : i1
      %and3A_171 = arith.andi %or3A_168, %not3A_170 : i1
      %convert_element_type3A_172 = arith.extui %and3A_171 : i1 to i32
      %cond3A_173 = arith.constant 0 : i32
      %cond3A_174 = arith.cmpi ne, %convert_element_type3A_172, %cond3A_173 : i32
      scf.if %cond3A_174 {
      } else {
      }
      %and3A_175 = arith.constant false
      %and3A_176 = arith.andi %and3A_171, %and3A_175 : i1
      %ne3A_177 = arith.cmpi ne, %add3A_72, %add3A_82 : i32
      %or3A_178 = arith.constant false
      %or3A_179 = arith.ori %or3A_178, %ne3A_177 : i1
      %or3A_180 = arith.constant false
      %or3A_181 = arith.ori %or3A_179, %or3A_180 : i1
      %not3A_182 = arith.constant true
      %not3A_183 = arith.xori %eq3A_68, %not3A_182 : i1
      %and3A_184 = arith.andi %or3A_181, %not3A_183 : i1
      %convert_element_type3A_185 = arith.extui %and3A_184 : i1 to i32
      %cond3A_186 = arith.constant 0 : i32
      %cond3A_187 = arith.cmpi ne, %convert_element_type3A_185, %cond3A_186 : i32
      scf.if %cond3A_187 {
        "tpu.trace_start"() <{level = 10 : i32, message = "ep_wait_out"}> : () -> ()
        %rem3A_266 = arith.constant 2 : i32
        %rem3A_267 = arith.remui %scan3A_64, %rem3A_266 : i32
        %mul3A_268 = arith.constant 256 : i32
        %mul3A_269 = arith.muli %mul3A_268, %add3A_82 : i32
        %dma_wait3A_270 = arith.constant 0 : i32
        %dma_wait3A_271 = arith.constant 0 : i32
        %dma_wait3A_272 = tpu.memref_slice %run_scoped3A_8[%rem3A_267, %dma_wait3A_270, %dma_wait3A_271] : memref<2x256x128xf32, #tpu.memory_space<vmem>> -> memref<1x256x128xf32, #tpu.memory_space<vmem>>
        %dma_wait3A_273 = tpu.memref_squeeze %dma_wait3A_272 : memref<1x256x128xf32, #tpu.memory_space<vmem>> -> memref<256x128xf32, #tpu.memory_space<vmem>>
        %dma_wait3A_274 = arith.constant 0 : i32
        %dma_wait3A_275 = tpu.memref_slice %arg4[%mul3A_269, %dma_wait3A_274] : memref<8192x128xf32, #tpu.memory_space<hbm>> -> memref<256x128xf32, #tpu.memory_space<hbm>>
        %dma_wait3A_276 = tpu.memref_slice %run_scoped3A_9[%rem3A_267] : memref<2x!tpu.dma_semaphore, #tpu.memory_space<semaphore_mem>> -> memref<1x!tpu.dma_semaphore, #tpu.memory_space<semaphore_mem>>
        %dma_wait3A_277 = tpu.memref_squeeze %dma_wait3A_276 : memref<1x!tpu.dma_semaphore, #tpu.memory_space<semaphore_mem>> -> memref<!tpu.dma_semaphore, #tpu.memory_space<semaphore_mem>>
        %dma_wait3A_278 = arith.constant 0 : i32
        %dma_wait3A_279 = tpu.memref_slice %arg4[%mul3A_269, %dma_wait3A_278] : memref<8192x128xf32, #tpu.memory_space<hbm>> -> memref<256x128xf32, #tpu.memory_space<hbm>>
        %dma_wait3A_280 = arith.constant 0 : i32
        %dma_wait3A_281 = arith.constant 0 : i32
        %dma_wait3A_282 = tpu.memref_slice %run_scoped3A_8[%rem3A_267, %dma_wait3A_280, %dma_wait3A_281] : memref<2x256x128xf32, #tpu.memory_space<vmem>> -> memref<1x256x128xf32, #tpu.memory_space<vmem>>
        %dma_wait3A_283 = tpu.memref_squeeze %dma_wait3A_282 : memref<1x256x128xf32, #tpu.memory_space<vmem>> -> memref<256x128xf32, #tpu.memory_space<vmem>>
        tpu.wait_dma2 semaphore(%dma_wait3A_277 : memref<!tpu.dma_semaphore, #tpu.memory_space<semaphore_mem>>) src(%dma_wait3A_283 : memref<256x128xf32, #tpu.memory_space<vmem>>) dst(%dma_wait3A_279 : memref<256x128xf32, #tpu.memory_space<hbm>>)
        "tpu.trace_stop"() : () -> ()
      } else {
      }
      %and3A_188 = arith.constant true
      %and3A_189 = arith.andi %and3A_184, %and3A_188 : i1
      %add3A_190 = arith.constant 1 : i32
      %add3A_191 = arith.addi %scan3A_64, %add3A_190 : i32
      %select_n3A_192 = arith.select %and3A_189, %add3A_191, %scan3A_64 : i32
      %ne3A_193 = arith.cmpi ne, %add3A_72, %add3A_92 : i32
      %or3A_194 = arith.constant false
      %or3A_195 = arith.ori %or3A_194, %ne3A_193 : i1
      %or3A_196 = arith.ori %or3A_195, %eq3A_70 : i1
      %add3A_197 = arith.constant 1 : i32
      %add3A_198 = arith.addi %scan3A, %add3A_197 : i32
      %select_n3A_199 = arith.select %or3A_196, %add3A_198, %scan3A : i32
      %select_n3A_200 = arith.constant true
      %select_n3A_201 = arith.constant 0 : i32
      %select_n3A_202 = arith.constant 1 : i32
      %select_n3A_203 = arith.select %select_n3A_200, %select_n3A_202, %select_n3A_201 : i32
      %eq3A_204 = arith.constant 1 : i32
      %eq3A_205 = arith.cmpi eq, %select_n3A_203, %eq3A_204 : i32
      %select_n3A_206 = arith.constant 0 : i32
      %select_n3A_207 = arith.select %eq3A_205, %select_n3A_206, %select_n3A_203 : i32
      %scan3A_208 = arith.constant 0 : i32
      %scan3A_209 = arith.constant 1 : i32
      %sub3A = arith.constant 1 : i32
      %sub3A_210 = arith.subi %scan3A_208, %sub3A : i32
      %select_n3A_211 = arith.constant true
      %select_n3A_212 = arith.select %select_n3A_211, %sub3A_210, %scan3A_208 : i32
      %eq3A_213 = arith.constant -1 : i32
      %eq3A_214 = arith.cmpi eq, %select_n3A_212, %eq3A_213 : i32
      %select_n3A_215 = arith.constant 0 : i32
      %select_n3A_216 = arith.select %eq3A_214, %select_n3A_215, %select_n3A_212 : i32
      %add3A_217 = arith.constant 0 : i32
      %add3A_218 = arith.addi %add3A_217, %mul3A_6 : i32
      %select_n3A_219 = arith.constant true
      %select_n3A_220 = arith.constant 0 : i32
      %select_n3A_221 = arith.constant -1 : i32
      %select_n3A_222 = arith.select %select_n3A_219, %select_n3A_221, %select_n3A_220 : i32
      %eq3A_223 = arith.constant -1 : i32
      %eq3A_224 = arith.cmpi eq, %select_n3A_222, %eq3A_223 : i32
      %select_n3A_225 = arith.constant 0 : i32
      %select_n3A_226 = arith.select %eq3A_224, %select_n3A_225, %select_n3A_222 : i32
      %add3A_227 = arith.constant 0 : i32
      %add3A_228 = arith.addi %add3A_227, %mul3A_6 : i32
      %select_n3A_229 = arith.constant true
      %select_n3A_230 = arith.constant 0 : i32
      %select_n3A_231 = arith.constant 1 : i32
      %select_n3A_232 = arith.select %select_n3A_229, %select_n3A_231, %select_n3A_230 : i32
      %eq3A_233 = arith.constant 1 : i32
      %eq3A_234 = arith.cmpi eq, %select_n3A_232, %eq3A_233 : i32
      %select_n3A_235 = arith.constant 0 : i32
      %select_n3A_236 = arith.select %eq3A_234, %select_n3A_235, %select_n3A_232 : i32
      %add3A_237 = arith.constant 0 : i32
      %add3A_238 = arith.addi %add3A_237, %mul3A_6 : i32
      %select_n3A_239 = arith.constant true
      %select_n3A_240 = arith.constant 0 : i32
      %select_n3A_241 = arith.constant 1 : i32
      %select_n3A_242 = arith.select %select_n3A_239, %select_n3A_241, %select_n3A_240 : i32
      %eq3A_243 = arith.constant 1 : i32
      %eq3A_244 = arith.cmpi eq, %select_n3A_242, %eq3A_243 : i32
      %select_n3A_245 = arith.constant 0 : i32
      %select_n3A_246 = arith.select %eq3A_244, %select_n3A_245, %select_n3A_242 : i32
      %add3A_247 = arith.constant 0 : i32
      %add3A_248 = arith.addi %add3A_247, %mul3A_6 : i32
      "tpu.trace_start"() <{level = 10 : i32, message = "ep_finalize"}> : () -> ()
      %rem3A_249 = arith.constant 2 : i32
      %rem3A_250 = arith.remui %select_n3A_192, %rem3A_249 : i32
      %mul3A_251 = arith.constant 256 : i32
      %mul3A_252 = arith.muli %mul3A_251, %add3A_218 : i32
      %dma_wait3A = arith.constant 0 : i32
      %dma_wait3A_253 = arith.constant 0 : i32
      %dma_wait3A_254 = tpu.memref_slice %run_scoped3A_8[%rem3A_250, %dma_wait3A, %dma_wait3A_253] : memref<2x256x128xf32, #tpu.memory_space<vmem>> -> memref<1x256x128xf32, #tpu.memory_space<vmem>>
      %dma_wait3A_255 = tpu.memref_squeeze %dma_wait3A_254 : memref<1x256x128xf32, #tpu.memory_space<vmem>> -> memref<256x128xf32, #tpu.memory_space<vmem>>
      %dma_wait3A_256 = arith.constant 0 : i32
      %dma_wait3A_257 = tpu.memref_slice %arg4[%mul3A_252, %dma_wait3A_256] : memref<8192x128xf32, #tpu.memory_space<hbm>> -> memref<256x128xf32, #tpu.memory_space<hbm>>
      %dma_wait3A_258 = tpu.memref_slice %run_scoped3A_9[%rem3A_250] : memref<2x!tpu.dma_semaphore, #tpu.memory_space<semaphore_mem>> -> memref<1x!tpu.dma_semaphore, #tpu.memory_space<semaphore_mem>>
      %dma_wait3A_259 = tpu.memref_squeeze %dma_wait3A_258 : memref<1x!tpu.dma_semaphore, #tpu.memory_space<semaphore_mem>> -> memref<!tpu.dma_semaphore, #tpu.memory_space<semaphore_mem>>
      %dma_wait3A_260 = arith.constant 0 : i32
      %dma_wait3A_261 = tpu.memref_slice %arg4[%mul3A_252, %dma_wait3A_260] : memref<8192x128xf32, #tpu.memory_space<hbm>> -> memref<256x128xf32, #tpu.memory_space<hbm>>
      %dma_wait3A_262 = arith.constant 0 : i32
      %dma_wait3A_263 = arith.constant 0 : i32
      %dma_wait3A_264 = tpu.memref_slice %run_scoped3A_8[%rem3A_250, %dma_wait3A_262, %dma_wait3A_263] : memref<2x256x128xf32, #tpu.memory_space<vmem>> -> memref<1x256x128xf32, #tpu.memory_space<vmem>>
      %dma_wait3A_265 = tpu.memref_squeeze %dma_wait3A_264 : memref<1x256x128xf32, #tpu.memory_space<vmem>> -> memref<256x128xf32, #tpu.memory_space<vmem>>
      tpu.wait_dma2 semaphore(%dma_wait3A_259 : memref<!tpu.dma_semaphore, #tpu.memory_space<semaphore_mem>>) src(%dma_wait3A_265 : memref<256x128xf32, #tpu.memory_space<vmem>>) dst(%dma_wait3A_261 : memref<256x128xf32, #tpu.memory_space<hbm>>)
      "tpu.trace_stop"() : () -> ()
      tpu.yield
    }) : () -> ()
    return
  }
}

module attributes {stable_mosaic.version = 14 : i64} {
  func.func @_fused_body(%arg0: i32, %arg1: memref<8192x128xf32, #tpu.memory_space<vmem>>, %arg2: memref<128x256xf32, #tpu.memory_space<vmem>>, %arg3: memref<1x256xf32, #tpu.memory_space<vmem>>, %arg4: memref<256x128xf32, #tpu.memory_space<vmem>>, %arg5: memref<1x128xf32, #tpu.memory_space<vmem>>, %arg6: memref<1x128xf32, #tpu.memory_space<vmem>>, %arg7: memref<1x128xf32, #tpu.memory_space<vmem>>, %arg8: memref<128x1xf32, #tpu.memory_space<vmem>>, %arg9: memref<256x128xf32, #tpu.memory_space<vmem>>, %arg10: memref<1x128xf32, #tpu.memory_space<vmem>>, %arg11: memref<128x1xf32, #tpu.memory_space<vmem>>, %arg12: memref<128x128xf32, #tpu.memory_space<vmem>>, %arg13: memref<1x128xf32, #tpu.memory_space<vmem>>, %arg14: memref<128x20480xf32, #tpu.memory_space<vmem>>, %arg15: memref<1x20480xf32, #tpu.memory_space<vmem>>, %arg16: memref<16x20480xf32, #tpu.memory_space<vmem>>, %arg17: memref<16x128xf32, #tpu.memory_space<vmem>>) attributes {dimension_semantics = [#tpu.dimension_semantics<arbitrary>], iteration_bounds = array<i64: 5>, scalar_prefetch = 0 : i64, scratch_operands = 1 : i64, tpu.core_type = #tpu.core_type<tc>, window_params = [{pipeline_mode = #tpu.pipeline_mode<synchronous>, transform_indices = @transform_0, window_bounds = array<i64: 8192, 128>}, {pipeline_mode = #tpu.pipeline_mode<synchronous>, transform_indices = @transform_1, window_bounds = array<i64: 128, 256>}, {pipeline_mode = #tpu.pipeline_mode<synchronous>, transform_indices = @transform_2, window_bounds = array<i64: 1, 256>}, {pipeline_mode = #tpu.pipeline_mode<synchronous>, transform_indices = @transform_3, window_bounds = array<i64: 256, 128>}, {pipeline_mode = #tpu.pipeline_mode<synchronous>, transform_indices = @transform_4, window_bounds = array<i64: 1, 128>}, {pipeline_mode = #tpu.pipeline_mode<synchronous>, transform_indices = @transform_5, window_bounds = array<i64: 1, 128>}, {pipeline_mode = #tpu.pipeline_mode<synchronous>, transform_indices = @transform_6, window_bounds = array<i64: 1, 128>}, {pipeline_mode = #tpu.pipeline_mode<synchronous>, transform_indices = @transform_7, window_bounds = array<i64: 128, 1>}, {pipeline_mode = #tpu.pipeline_mode<synchronous>, transform_indices = @transform_8, window_bounds = array<i64: 256, 128>}, {pipeline_mode = #tpu.pipeline_mode<synchronous>, transform_indices = @transform_9, window_bounds = array<i64: 1, 128>}, {pipeline_mode = #tpu.pipeline_mode<synchronous>, transform_indices = @transform_10, window_bounds = array<i64: 128, 1>}, {pipeline_mode = #tpu.pipeline_mode<synchronous>, transform_indices = @transform_11, window_bounds = array<i64: 128, 128>}, {pipeline_mode = #tpu.pipeline_mode<synchronous>, transform_indices = @transform_12, window_bounds = array<i64: 1, 128>}, {transform_indices = @transform_13, window_bounds = array<i64: 128, 20480>}, {transform_indices = @transform_14, window_bounds = array<i64: 1, 20480>}, {transform_indices = @transform_15, window_bounds = array<i64: 16, 20480>}]} {
    %eq3A = arith.constant 0 : i32
    %eq3A_0 = arith.cmpi eq, %arg0, %eq3A : i32
    %convert_element_type3A = arith.extui %eq3A_0 : i1 to i32
    %cond3A = arith.constant 0 : i32
    %cond3A_1 = arith.cmpi ne, %convert_element_type3A, %cond3A : i32
    scf.if %cond3A_1 {
      %get3A_14 = arith.constant 0 : index
      %get3A_15 = arith.constant 0 : index
      %get3A_16 = vector.load %arg1[%get3A_14, %get3A_15] : memref<8192x128xf32, #tpu.memory_space<vmem>>, vector<8192x128xf32>
      %get3A_17 = arith.constant 0 : index
      %get3A_18 = arith.constant 0 : index
      %get3A_19 = vector.load %arg2[%get3A_17, %get3A_18] : memref<128x256xf32, #tpu.memory_space<vmem>>, vector<128x256xf32>
      %dot_general3A_20 = arith.constant dense<0.000000e+00> : vector<8192x256xf32>
      %dot_general3A_21 = tpu.matmul %get3A_16, %get3A_19, %dot_general3A_20 {dimension_numbers = #tpu.dot_dimension_numbers<[1], [0], [0], [1], [0, 0, 1, 1], [], []>, transpose_lhs_hint = false} : vector<8192x128xf32>, vector<128x256xf32>, vector<8192x256xf32> -> vector<8192x256xf32>
      %get3A_22 = arith.constant 0 : index
      %get3A_23 = arith.constant 0 : index
      %get3A_24 = vector.load %arg3[%get3A_22, %get3A_23] : memref<1x256xf32, #tpu.memory_space<vmem>>, vector<1x256xf32>
      %add3A_25 = vector.broadcast %get3A_24 : vector<1x256xf32> to vector<8192x256xf32>
      %add3A_26 = arith.addf %dot_general3A_21, %add3A_25 : vector<8192x256xf32>
      %max3A = arith.constant 0.000000e+00 : f32
      %max3A_27 = vector.broadcast %max3A : f32 to vector<8192x256xf32>
      %max3A_28 = arith.maximumf %add3A_26, %max3A_27 : vector<8192x256xf32>
      %get3A_29 = arith.constant 0 : index
      %get3A_30 = arith.constant 0 : index
      %get3A_31 = vector.load %arg4[%get3A_29, %get3A_30] : memref<256x128xf32, #tpu.memory_space<vmem>>, vector<256x128xf32>
      %dot_general3A_32 = arith.constant dense<0.000000e+00> : vector<8192x128xf32>
      %dot_general3A_33 = tpu.matmul %max3A_28, %get3A_31, %dot_general3A_32 {dimension_numbers = #tpu.dot_dimension_numbers<[1], [0], [0], [1], [0, 0, 1, 1], [], []>, transpose_lhs_hint = false} : vector<8192x256xf32>, vector<256x128xf32>, vector<8192x128xf32> -> vector<8192x128xf32>
      %get3A_34 = arith.constant 0 : index
      %get3A_35 = arith.constant 0 : index
      %get3A_36 = vector.load %arg5[%get3A_34, %get3A_35] : memref<1x128xf32, #tpu.memory_space<vmem>>, vector<1x128xf32>
      %add3A_37 = vector.broadcast %get3A_36 : vector<1x128xf32> to vector<8192x128xf32>
      %add3A_38 = arith.addf %dot_general3A_33, %add3A_37 : vector<8192x128xf32>
      %add3A_39 = arith.addf %get3A_16, %add3A_38 : vector<8192x128xf32>
      %reduce_sum3A = arith.constant dense<0.000000e+00> : vector<8192xf32>
      %reduce_sum3A_40 = vector.multi_reduction <add>, %add3A_39, %reduce_sum3A [1] : vector<8192x128xf32> to vector<8192xf32>
      %broadcast_in_dim3A = vector.shape_cast %reduce_sum3A_40 : vector<8192xf32> to vector<8192x1xf32>
      %div3A = arith.constant 1.280000e+02 : f32
      %div3A_41 = vector.broadcast %div3A : f32 to vector<8192x1xf32>
      %div3A_42 = arith.divf %broadcast_in_dim3A, %div3A_41 : vector<8192x1xf32>
      %sub3A = vector.broadcast %div3A_42 : vector<8192x1xf32> to vector<8192x128xf32>
      %sub3A_43 = arith.subf %add3A_39, %sub3A : vector<8192x128xf32>
      %mul3A = arith.mulf %sub3A_43, %sub3A_43 : vector<8192x128xf32>
      %reduce_sum3A_44 = arith.constant dense<0.000000e+00> : vector<8192xf32>
      %reduce_sum3A_45 = vector.multi_reduction <add>, %mul3A, %reduce_sum3A_44 [1] : vector<8192x128xf32> to vector<8192xf32>
      %broadcast_in_dim3A_46 = vector.shape_cast %reduce_sum3A_45 : vector<8192xf32> to vector<8192x1xf32>
      %div3A_47 = arith.constant 1.280000e+02 : f32
      %div3A_48 = vector.broadcast %div3A_47 : f32 to vector<8192x1xf32>
      %div3A_49 = arith.divf %broadcast_in_dim3A_46, %div3A_48 : vector<8192x1xf32>
      %add3A_50 = arith.constant 9.99999974E-6 : f32
      %add3A_51 = vector.broadcast %add3A_50 : f32 to vector<8192x1xf32>
      %add3A_52 = arith.addf %div3A_49, %add3A_51 : vector<8192x1xf32>
      %sqrt3A = math.sqrt %add3A_52 : vector<8192x1xf32>
      %div3A_53 = vector.broadcast %sqrt3A : vector<8192x1xf32> to vector<8192x128xf32>
      %div3A_54 = arith.divf %sub3A_43, %div3A_53 : vector<8192x128xf32>
      %get3A_55 = arith.constant 0 : index
      %get3A_56 = arith.constant 0 : index
      %get3A_57 = vector.load %arg6[%get3A_55, %get3A_56] : memref<1x128xf32, #tpu.memory_space<vmem>>, vector<1x128xf32>
      %mul3A_58 = vector.broadcast %get3A_57 : vector<1x128xf32> to vector<8192x128xf32>
      %mul3A_59 = arith.mulf %div3A_54, %mul3A_58 : vector<8192x128xf32>
      %get3A_60 = arith.constant 0 : index
      %get3A_61 = arith.constant 0 : index
      %get3A_62 = vector.load %arg7[%get3A_60, %get3A_61] : memref<1x128xf32, #tpu.memory_space<vmem>>, vector<1x128xf32>
      %add3A_63 = vector.broadcast %get3A_62 : vector<1x128xf32> to vector<8192x128xf32>
      %add3A_64 = arith.addf %mul3A_59, %add3A_63 : vector<8192x128xf32>
      %reshape3A = vector.shape_cast %add3A_64 : vector<8192x128xf32> to vector<16x512x128xf32>
      %iota3A = tpu.iota {dimensions = array<i32: 1>} : vector<16x512xi32>
      %lt3A = arith.constant 509 : i32
      %lt3A_65 = vector.broadcast %lt3A : i32 to vector<16x512xi32>
      %lt3A_66 = arith.cmpi slt, %iota3A, %lt3A_65 : vector<16x512xi32>
      %get3A_67 = arith.constant 0 : index
      %get3A_68 = arith.constant 0 : index
      %get3A_69 = vector.load %arg8[%get3A_67, %get3A_68] : memref<128x1xf32, #tpu.memory_space<vmem>>, vector<128x1xf32>
      %broadcast_in_dim3A_70 = vector.shape_cast %get3A_69 : vector<128x1xf32> to vector<128x1xf32>
      %broadcast_in_dim3A_71 = vector.broadcast %broadcast_in_dim3A_70 : vector<128x1xf32> to vector<128x128xf32>
      %dot_general3A_72 = arith.constant dense<0.000000e+00> : vector<8192x128xf32>
      %dot_general3A_73 = tpu.matmul %add3A_64, %broadcast_in_dim3A_71, %dot_general3A_72 {dimension_numbers = #tpu.dot_dimension_numbers<[1], [0], [0], [1], [0, 0, 1, 1], [], []>, transpose_lhs_hint = false} : vector<8192x128xf32>, vector<128x128xf32>, vector<8192x128xf32> -> vector<8192x128xf32>
      %reshape3A_74 = vector.shape_cast %dot_general3A_73 : vector<8192x128xf32> to vector<16x512x128xf32>
      %reduce_max3A = arith.constant dense<0xFF800000> : vector<16x512xf32>
      %reduce_max3A_75 = vector.multi_reduction <maximumf>, %reshape3A_74, %reduce_max3A [2] : vector<16x512x128xf32> to vector<16x512xf32>
      %jit3A = arith.constant 0xFF800000 : f32
      %broadcast_in_dim3A_76 = vector.broadcast %jit3A : f32 to vector<16x512xf32>
      %select_n3A = arith.select %lt3A_66, %reduce_max3A_75, %broadcast_in_dim3A_76 : vector<16x512xi1>, vector<16x512xf32>
      %broadcast_in_dim3A_77 = arith.constant 0.000000e+00 : f32
      %broadcast_in_dim3A_78 = vector.broadcast %broadcast_in_dim3A_77 : f32 to vector<16x512xf32>
      %scan3A = arith.constant 0 : i32
      %scan3A_79 = arith.constant 48 : i32
      %scan3A_80 = arith.addi %scan3A, %scan3A_79 : i32
      %scan3A_81 = arith.constant 1 : i32
      %scan3A_82:2 = scf.for %scan3A_177 = %scan3A to %scan3A_80 step %scan3A_81 iter_args(%scan3A_178 = %select_n3A, %scan3A_179 = %broadcast_in_dim3A_78) -> (vector<16x512xf32>, vector<16x512xf32>)  : i32 {
        %reduce_max3A_180 = arith.constant dense<0xFF800000> : vector<16xf32>
        %reduce_max3A_181 = vector.multi_reduction <maximumf>, %scan3A_178, %reduce_max3A_180 [1] : vector<16x512xf32> to vector<16xf32>
        %broadcast_in_dim3A_182 = vector.shape_cast %reduce_max3A_181 : vector<16xf32> to vector<16x1xf32>
        %eq3A_183 = vector.broadcast %broadcast_in_dim3A_182 : vector<16x1xf32> to vector<16x512xf32>
        %eq3A_184 = arith.cmpf oeq, %scan3A_178, %eq3A_183 : vector<16x512xf32>
        %jit3A_185 = arith.constant 512 : i32
        %broadcast_in_dim3A_186 = vector.broadcast %jit3A_185 : i32 to vector<16x512xi32>
        %select_n3A_187 = arith.select %eq3A_184, %iota3A, %broadcast_in_dim3A_186 : vector<16x512xi1>, vector<16x512xi32>
        %reduce_min3A = arith.constant dense<2147483647> : vector<16xi32>
        %reduce_min3A_188 = vector.multi_reduction <minsi>, %select_n3A_187, %reduce_min3A [1] : vector<16x512xi32> to vector<16xi32>
        %broadcast_in_dim3A_189 = vector.shape_cast %reduce_min3A_188 : vector<16xi32> to vector<16x1xi32>
        %eq3A_190 = vector.broadcast %broadcast_in_dim3A_189 : vector<16x1xi32> to vector<16x512xi32>
        %eq3A_191 = arith.cmpi eq, %iota3A, %eq3A_190 : vector<16x512xi32>
        %jit3A_192 = arith.constant 0xFF800000 : f32
        %broadcast_in_dim3A_193 = vector.broadcast %jit3A_192 : f32 to vector<16x512xf32>
        %select_n3A_194 = arith.select %eq3A_191, %broadcast_in_dim3A_193, %scan3A_178 : vector<16x512xi1>, vector<16x512xf32>
        %jit3A_195 = arith.constant 1.000000e+00 : f32
        %jit3A_196 = arith.constant 0.000000e+00 : f32
        %broadcast_in_dim3A_197 = vector.broadcast %jit3A_195 : f32 to vector<16x512xf32>
        %broadcast_in_dim3A_198 = vector.broadcast %jit3A_196 : f32 to vector<16x512xf32>
        %select_n3A_199 = arith.select %eq3A_191, %broadcast_in_dim3A_197, %broadcast_in_dim3A_198 : vector<16x512xi1>, vector<16x512xf32>
        %max3A_200 = arith.maximumf %scan3A_179, %select_n3A_199 : vector<16x512xf32>
        scf.yield %select_n3A_194, %max3A_200 : vector<16x512xf32>, vector<16x512xf32>
      }
      %gt3A = arith.constant 5.000000e-01 : f32
      %gt3A_83 = vector.broadcast %gt3A : f32 to vector<16x512xf32>
      %gt3A_84 = arith.cmpf ogt, %scan3A_82#1, %gt3A_83 : vector<16x512xf32>
      %reduce_sum3A_85 = arith.constant dense<0.000000e+00> : vector<16x128xf32>
      %reduce_sum3A_86 = vector.multi_reduction <add>, %reshape3A, %reduce_sum3A_85 [1] : vector<16x512x128xf32> to vector<16x128xf32>
      %div3A_87 = arith.constant 5.120000e+02 : f32
      %div3A_88 = vector.broadcast %div3A_87 : f32 to vector<16x128xf32>
      %div3A_89 = arith.divf %reduce_sum3A_86, %div3A_88 : vector<16x128xf32>
      %get3A_90 = arith.constant 0 : index
      %get3A_91 = arith.constant 0 : index
      %get3A_92 = vector.load %arg9[%get3A_90, %get3A_91] : memref<256x128xf32, #tpu.memory_space<vmem>>, vector<128x128xf32>
      %dot_general3A_93 = arith.constant dense<0.000000e+00> : vector<8192x128xf32>
      %dot_general3A_94 = tpu.matmul %add3A_64, %get3A_92, %dot_general3A_93 {dimension_numbers = #tpu.dot_dimension_numbers<[1], [0], [0], [1], [0, 0, 1, 1], [], []>, transpose_lhs_hint = false} : vector<8192x128xf32>, vector<128x128xf32>, vector<8192x128xf32> -> vector<8192x128xf32>
      %reshape3A_95 = vector.shape_cast %dot_general3A_94 : vector<8192x128xf32> to vector<16x512x128xf32>
      %get3A_96 = arith.constant 128 : index
      %get3A_97 = arith.constant 0 : index
      %get3A_98 = vector.load %arg9[%get3A_96, %get3A_97] : memref<256x128xf32, #tpu.memory_space<vmem>>, vector<128x128xf32>
      %dot_general3A_99 = arith.constant dense<0.000000e+00> : vector<16x128xf32>
      %dot_general3A_100 = tpu.matmul %div3A_89, %get3A_98, %dot_general3A_99 {dimension_numbers = #tpu.dot_dimension_numbers<[1], [0], [0], [1], [0, 0, 1, 1], [], []>, transpose_lhs_hint = false} : vector<16x128xf32>, vector<128x128xf32>, vector<16x128xf32> -> vector<16x128xf32>
      %get3A_101 = arith.constant 0 : index
      %get3A_102 = arith.constant 0 : index
      %get3A_103 = vector.load %arg10[%get3A_101, %get3A_102] : memref<1x128xf32, #tpu.memory_space<vmem>>, vector<1x128xf32>
      %add3A_104 = vector.broadcast %get3A_103 : vector<1x128xf32> to vector<16x128xf32>
      %add3A_105 = arith.addf %dot_general3A_100, %add3A_104 : vector<16x128xf32>
      %reshape3A_106 = vector.shape_cast %add3A_105 : vector<16x128xf32> to vector<16x1x128xf32>
      %add3A_107 = vector.broadcast %reshape3A_106 : vector<16x1x128xf32> to vector<16x512x128xf32>
      %add3A_108 = arith.addf %reshape3A_95, %add3A_107 : vector<16x512x128xf32>
      %max3A_109 = arith.constant 0.000000e+00 : f32
      %max3A_110 = vector.broadcast %max3A_109 : f32 to vector<16x512x128xf32>
      %max3A_111 = arith.maximumf %add3A_108, %max3A_110 : vector<16x512x128xf32>
      %reshape3A_112 = vector.shape_cast %max3A_111 : vector<16x512x128xf32> to vector<8192x128xf32>
      %get3A_113 = arith.constant 0 : index
      %get3A_114 = arith.constant 0 : index
      %get3A_115 = vector.load %arg11[%get3A_113, %get3A_114] : memref<128x1xf32, #tpu.memory_space<vmem>>, vector<128x1xf32>
      %broadcast_in_dim3A_116 = vector.shape_cast %get3A_115 : vector<128x1xf32> to vector<128x1xf32>
      %broadcast_in_dim3A_117 = vector.broadcast %broadcast_in_dim3A_116 : vector<128x1xf32> to vector<128x128xf32>
      %dot_general3A_118 = arith.constant dense<0.000000e+00> : vector<8192x128xf32>
      %dot_general3A_119 = tpu.matmul %reshape3A_112, %broadcast_in_dim3A_117, %dot_general3A_118 {dimension_numbers = #tpu.dot_dimension_numbers<[1], [0], [0], [1], [0, 0, 1, 1], [], []>, transpose_lhs_hint = false} : vector<8192x128xf32>, vector<128x128xf32>, vector<8192x128xf32> -> vector<8192x128xf32>
      %reshape3A_120 = vector.shape_cast %dot_general3A_119 : vector<8192x128xf32> to vector<16x512x128xf32>
      %reduce_max3A_121 = arith.constant dense<0xFF800000> : vector<16x512xf32>
      %reduce_max3A_122 = vector.multi_reduction <maximumf>, %reshape3A_120, %reduce_max3A_121 [2] : vector<16x512x128xf32> to vector<16x512xf32>
      %not3A = arith.constant dense<true> : vector<16x512xi1>
      %not3A_123 = arith.xori %gt3A_84, %not3A : vector<16x512xi1>
      %and3A = arith.andi %lt3A_66, %not3A_123 : vector<16x512xi1>
      %jit3A_124 = arith.constant 0xFF800000 : f32
      %broadcast_in_dim3A_125 = vector.broadcast %jit3A_124 : f32 to vector<16x512xf32>
      %select_n3A_126 = arith.select %and3A, %reduce_max3A_122, %broadcast_in_dim3A_125 : vector<16x512xi1>, vector<16x512xf32>
      %broadcast_in_dim3A_127 = arith.constant 0.000000e+00 : f32
      %broadcast_in_dim3A_128 = vector.broadcast %broadcast_in_dim3A_127 : f32 to vector<16x512xf32>
      %scan3A_129 = arith.constant 0 : i32
      %scan3A_130 = arith.constant 16 : i32
      %scan3A_131 = arith.addi %scan3A_129, %scan3A_130 : i32
      %scan3A_132 = arith.constant 1 : i32
      %scan3A_133:2 = scf.for %scan3A_177 = %scan3A_129 to %scan3A_131 step %scan3A_132 iter_args(%scan3A_178 = %select_n3A_126, %scan3A_179 = %broadcast_in_dim3A_128) -> (vector<16x512xf32>, vector<16x512xf32>)  : i32 {
        %reduce_max3A_180 = arith.constant dense<0xFF800000> : vector<16xf32>
        %reduce_max3A_181 = vector.multi_reduction <maximumf>, %scan3A_178, %reduce_max3A_180 [1] : vector<16x512xf32> to vector<16xf32>
        %broadcast_in_dim3A_182 = vector.shape_cast %reduce_max3A_181 : vector<16xf32> to vector<16x1xf32>
        %eq3A_183 = vector.broadcast %broadcast_in_dim3A_182 : vector<16x1xf32> to vector<16x512xf32>
        %eq3A_184 = arith.cmpf oeq, %scan3A_178, %eq3A_183 : vector<16x512xf32>
        %jit3A_185 = arith.constant 512 : i32
        %broadcast_in_dim3A_186 = vector.broadcast %jit3A_185 : i32 to vector<16x512xi32>
        %select_n3A_187 = arith.select %eq3A_184, %iota3A, %broadcast_in_dim3A_186 : vector<16x512xi1>, vector<16x512xi32>
        %reduce_min3A = arith.constant dense<2147483647> : vector<16xi32>
        %reduce_min3A_188 = vector.multi_reduction <minsi>, %select_n3A_187, %reduce_min3A [1] : vector<16x512xi32> to vector<16xi32>
        %broadcast_in_dim3A_189 = vector.shape_cast %reduce_min3A_188 : vector<16xi32> to vector<16x1xi32>
        %eq3A_190 = vector.broadcast %broadcast_in_dim3A_189 : vector<16x1xi32> to vector<16x512xi32>
        %eq3A_191 = arith.cmpi eq, %iota3A, %eq3A_190 : vector<16x512xi32>
        %jit3A_192 = arith.constant 0xFF800000 : f32
        %broadcast_in_dim3A_193 = vector.broadcast %jit3A_192 : f32 to vector<16x512xf32>
        %select_n3A_194 = arith.select %eq3A_191, %broadcast_in_dim3A_193, %scan3A_178 : vector<16x512xi1>, vector<16x512xf32>
        %jit3A_195 = arith.constant 1.000000e+00 : f32
        %jit3A_196 = arith.constant 0.000000e+00 : f32
        %broadcast_in_dim3A_197 = vector.broadcast %jit3A_195 : f32 to vector<16x512xf32>
        %broadcast_in_dim3A_198 = vector.broadcast %jit3A_196 : f32 to vector<16x512xf32>
        %select_n3A_199 = arith.select %eq3A_191, %broadcast_in_dim3A_197, %broadcast_in_dim3A_198 : vector<16x512xi1>, vector<16x512xf32>
        %max3A_200 = arith.maximumf %scan3A_179, %select_n3A_199 : vector<16x512xf32>
        scf.yield %select_n3A_194, %max3A_200 : vector<16x512xf32>, vector<16x512xf32>
      }
      %gt3A_134 = arith.constant 5.000000e-01 : f32
      %gt3A_135 = vector.broadcast %gt3A_134 : f32 to vector<16x512xf32>
      %gt3A_136 = arith.cmpf ogt, %scan3A_133#1, %gt3A_135 : vector<16x512xf32>
      %or3A = arith.ori %gt3A_84, %gt3A_136 : vector<16x512xi1>
      %slice3A = vector.extract_strided_slice %reshape3A {offsets = [0, 510, 0], sizes = [16, 1, 128], strides = [1, 1, 1]} : vector<16x512x128xf32> to vector<16x1x128xf32>
      %squeeze3A = vector.shape_cast %slice3A : vector<16x1x128xf32> to vector<16x128xf32>
      %get3A_137 = arith.constant 0 : index
      %get3A_138 = arith.constant 0 : index
      %get3A_139 = vector.load %arg12[%get3A_137, %get3A_138] : memref<128x128xf32, #tpu.memory_space<vmem>>, vector<128x128xf32>
      %dot_general3A_140 = arith.constant dense<0.000000e+00> : vector<16x128xf32>
      %dot_general3A_141 = tpu.matmul %squeeze3A, %get3A_139, %dot_general3A_140 {dimension_numbers = #tpu.dot_dimension_numbers<[1], [0], [0], [1], [0, 0, 1, 1], [], []>, transpose_lhs_hint = false} : vector<16x128xf32>, vector<128x128xf32>, vector<16x128xf32> -> vector<16x128xf32>
      %get3A_142 = arith.constant 0 : index
      %get3A_143 = arith.constant 0 : index
      %get3A_144 = vector.load %arg13[%get3A_142, %get3A_143] : memref<1x128xf32, #tpu.memory_space<vmem>>, vector<1x128xf32>
      %add3A_145 = vector.broadcast %get3A_144 : vector<1x128xf32> to vector<16x128xf32>
      %add3A_146 = arith.addf %dot_general3A_141, %add3A_145 : vector<16x128xf32>
      %convert_element_type3A_147 = arith.truncf %reshape3A : vector<16x512x128xf32> to vector<16x512x128xbf16>
      %convert_element_type3A_148 = arith.extf %convert_element_type3A_147 : vector<16x512x128xbf16> to vector<16x512x128xf32>
      %convert_element_type3A_149 = arith.truncf %add3A_146 : vector<16x128xf32> to vector<16x128xbf16>
      %convert_element_type3A_150 = arith.extf %convert_element_type3A_149 : vector<16x128xbf16> to vector<16x128xf32>
      %reshape3A_151 = vector.shape_cast %convert_element_type3A_150 : vector<16x128xf32> to vector<16x1x128xf32>
      %mul3A_152 = vector.broadcast %reshape3A_151 : vector<16x1x128xf32> to vector<16x512x128xf32>
      %mul3A_153 = arith.mulf %convert_element_type3A_148, %mul3A_152 : vector<16x512x128xf32>
      %reduce_sum3A_154 = arith.constant dense<0.000000e+00> : vector<16x512xf32>
      %reduce_sum3A_155 = vector.multi_reduction <add>, %mul3A_153, %reduce_sum3A_154 [2] : vector<16x512x128xf32> to vector<16x512xf32>
      %jit3A_156 = arith.constant 0xFF800000 : f32
      %broadcast_in_dim3A_157 = vector.broadcast %jit3A_156 : f32 to vector<16x512xf32>
      %select_n3A_158 = arith.select %or3A, %reduce_sum3A_155, %broadcast_in_dim3A_157 : vector<16x512xi1>, vector<16x512xf32>
      %reduce_max3A_159 = arith.constant dense<0xFF800000> : vector<16xf32>
      %reduce_max3A_160 = vector.multi_reduction <maximumf>, %select_n3A_158, %reduce_max3A_159 [1] : vector<16x512xf32> to vector<16xf32>
      %broadcast_in_dim3A_161 = vector.shape_cast %reduce_max3A_160 : vector<16xf32> to vector<16x1xf32>
      %sub3A_162 = vector.broadcast %broadcast_in_dim3A_161 : vector<16x1xf32> to vector<16x512xf32>
      %sub3A_163 = arith.subf %select_n3A_158, %sub3A_162 : vector<16x512xf32>
      %exp3A = math.exp %sub3A_163 : vector<16x512xf32>
      %reduce_sum3A_164 = arith.constant dense<0.000000e+00> : vector<16xf32>
      %reduce_sum3A_165 = vector.multi_reduction <add>, %exp3A, %reduce_sum3A_164 [1] : vector<16x512xf32> to vector<16xf32>
      %broadcast_in_dim3A_166 = vector.shape_cast %reduce_sum3A_165 : vector<16xf32> to vector<16x1xf32>
      %div3A_167 = vector.broadcast %broadcast_in_dim3A_166 : vector<16x1xf32> to vector<16x512xf32>
      %div3A_168 = arith.divf %exp3A, %div3A_167 : vector<16x512xf32>
      %reshape3A_169 = vector.shape_cast %div3A_168 : vector<16x512xf32> to vector<16x512x1xf32>
      %mul3A_170 = vector.broadcast %reshape3A_169 : vector<16x512x1xf32> to vector<16x512x128xf32>
      %mul3A_171 = arith.mulf %reshape3A, %mul3A_170 : vector<16x512x128xf32>
      %reduce_sum3A_172 = arith.constant dense<0.000000e+00> : vector<16x128xf32>
      %reduce_sum3A_173 = vector.multi_reduction <add>, %mul3A_171, %reduce_sum3A_172 [1] : vector<16x512x128xf32> to vector<16x128xf32>
      %swap3A_174 = arith.constant 0 : index
      %swap3A_175 = arith.constant 0 : index
      %swap3A_176 = vector.load %arg17[%swap3A_174, %swap3A_175] : memref<16x128xf32, #tpu.memory_space<vmem>>, vector<16x128xf32>
      tpu.vector_store %arg17[%swap3A_174, %swap3A_175], %reduce_sum3A_173 {strides = array<i32>} : memref<16x128xf32, #tpu.memory_space<vmem>>, vector<16x128xf32>,
    } else {
    }
    %get3A = arith.constant 0 : index
    %get3A_2 = arith.constant 0 : index
    %get3A_3 = vector.load %arg17[%get3A, %get3A_2] : memref<16x128xf32, #tpu.memory_space<vmem>>, vector<16x128xf32>
    %get3A_4 = arith.constant 0 : index
    %get3A_5 = arith.constant 0 : index
    %get3A_6 = vector.load %arg14[%get3A_4, %get3A_5] : memref<128x20480xf32, #tpu.memory_space<vmem>>, vector<128x20480xf32>
    %dot_general3A = arith.constant dense<0.000000e+00> : vector<16x20480xf32>
    %dot_general3A_7 = tpu.matmul %get3A_3, %get3A_6, %dot_general3A {dimension_numbers = #tpu.dot_dimension_numbers<[1], [0], [0], [1], [0, 0, 1, 1], [], []>, transpose_lhs_hint = false} : vector<16x128xf32>, vector<128x20480xf32>, vector<16x20480xf32> -> vector<16x20480xf32>
    %get3A_8 = arith.constant 0 : index
    %get3A_9 = arith.constant 0 : index
    %get3A_10 = vector.load %arg15[%get3A_8, %get3A_9] : memref<1x20480xf32, #tpu.memory_space<vmem>>, vector<1x20480xf32>
    %add3A = vector.broadcast %get3A_10 : vector<1x20480xf32> to vector<16x20480xf32>
    %add3A_11 = arith.addf %dot_general3A_7, %add3A : vector<16x20480xf32>
    %swap3A = arith.constant 0 : index
    %swap3A_12 = arith.constant 0 : index
    %swap3A_13 = vector.load %arg16[%swap3A, %swap3A_12] : memref<16x20480xf32, #tpu.memory_space<vmem>>, vector<16x20480xf32>
    tpu.vector_store %arg16[%swap3A, %swap3A_12], %add3A_11 {strides = array<i32>} : memref<16x20480xf32, #tpu.memory_space<vmem>>, vector<16x20480xf32>,
    return
  }
  func.func @transform_0(%arg0: i32) -> (i32, i32) {
    %c0_i32 = arith.constant 0 : i32
    %c0_i32_0 = arith.constant 0 : i32
    %c0_i32_1 = arith.constant 0 : i32
    return %c0_i32, %c0_i32_0 : i32, i32
  }
  func.func @transform_1(%arg0: i32) -> (i32, i32) {
    %c0_i32 = arith.constant 0 : i32
    %c0_i32_0 = arith.constant 0 : i32
    %c0_i32_1 = arith.constant 0 : i32
    return %c0_i32, %c0_i32_0 : i32, i32
  }
  func.func @transform_2(%arg0: i32) -> (i32, i32) {
    %c0_i32 = arith.constant 0 : i32
    %c0_i32_0 = arith.constant 0 : i32
    %c0_i32_1 = arith.constant 0 : i32
    return %c0_i32, %c0_i32_0 : i32, i32
  }
  func.func @transform_3(%arg0: i32) -> (i32, i32) {
    %c0_i32 = arith.constant 0 : i32
    %c0_i32_0 = arith.constant 0 : i32
    %c0_i32_1 = arith.constant 0 : i32
    return %c0_i32, %c0_i32_0 : i32, i32
  }
  func.func @transform_4(%arg0: i32) -> (i32, i32) {
    %c0_i32 = arith.constant 0 : i32
    %c0_i32_0 = arith.constant 0 : i32
    %c0_i32_1 = arith.constant 0 : i32
    return %c0_i32, %c0_i32_0 : i32, i32
  }
  func.func @transform_5(%arg0: i32) -> (i32, i32) {
    %c0_i32 = arith.constant 0 : i32
    %c0_i32_0 = arith.constant 0 : i32
    %c0_i32_1 = arith.constant 0 : i32
    return %c0_i32, %c0_i32_0 : i32, i32
  }
  func.func @transform_6(%arg0: i32) -> (i32, i32) {
    %c0_i32 = arith.constant 0 : i32
    %c0_i32_0 = arith.constant 0 : i32
    %c0_i32_1 = arith.constant 0 : i32
    return %c0_i32, %c0_i32_0 : i32, i32
  }
  func.func @transform_7(%arg0: i32) -> (i32, i32) {
    %c0_i32 = arith.constant 0 : i32
    %c0_i32_0 = arith.constant 0 : i32
    %c0_i32_1 = arith.constant 0 : i32
    return %c0_i32, %c0_i32_0 : i32, i32
  }
  func.func @transform_8(%arg0: i32) -> (i32, i32) {
    %c0_i32 = arith.constant 0 : i32
    %c0_i32_0 = arith.constant 0 : i32
    %c0_i32_1 = arith.constant 0 : i32
    return %c0_i32, %c0_i32_0 : i32, i32
  }
  func.func @transform_9(%arg0: i32) -> (i32, i32) {
    %c0_i32 = arith.constant 0 : i32
    %c0_i32_0 = arith.constant 0 : i32
    %c0_i32_1 = arith.constant 0 : i32
    return %c0_i32, %c0_i32_0 : i32, i32
  }
  func.func @transform_10(%arg0: i32) -> (i32, i32) {
    %c0_i32 = arith.constant 0 : i32
    %c0_i32_0 = arith.constant 0 : i32
    %c0_i32_1 = arith.constant 0 : i32
    return %c0_i32, %c0_i32_0 : i32, i32
  }
  func.func @transform_11(%arg0: i32) -> (i32, i32) {
    %c0_i32 = arith.constant 0 : i32
    %c0_i32_0 = arith.constant 0 : i32
    %c0_i32_1 = arith.constant 0 : i32
    return %c0_i32, %c0_i32_0 : i32, i32
  }
  func.func @transform_12(%arg0: i32) -> (i32, i32) {
    %c0_i32 = arith.constant 0 : i32
    %c0_i32_0 = arith.constant 0 : i32
    %c0_i32_1 = arith.constant 0 : i32
    return %c0_i32, %c0_i32_0 : i32, i32
  }
  func.func @transform_13(%arg0: i32) -> (i32, i32) {
    %c0_i32 = arith.constant 0 : i32
    %c0_i32_0 = arith.constant 0 : i32
    return %c0_i32, %arg0 : i32, i32
  }
  func.func @transform_14(%arg0: i32) -> (i32, i32) {
    %c0_i32 = arith.constant 0 : i32
    %c0_i32_0 = arith.constant 0 : i32
    return %c0_i32, %arg0 : i32, i32
  }
  func.func @transform_15(%arg0: i32) -> (i32, i32) {
    %c0_i32 = arith.constant 0 : i32
    %c0_i32_0 = arith.constant 0 : i32
    return %c0_i32, %arg0 : i32, i32
  }
}

</mosaic_0001>

<sc_bundles>
// kernel: kernel.4.cloned.1.call-start
scs
__scs_entry_jumppad:
0x0: {  	(pc) =	sbr.rel $0x88, $3  }
0x1: {  	(tag) =	ssettag $0x0;
	lr =	simm.s32 $0x1  }
0x2: {  	[smem:$0x3F91] =	sst lr;
	_ =	strace $0xD0000000  }
0x3: {  	_ = 	snop  }
0x4: {  	_ = 	snop  }
0x5: {  	_ = 	snop  }
0x6: {  	_ = 	snop  }
0x7: {  	_ = 	snop  }
__scs_overlays_trampoline_lowered:
0x8: {  	[smem:$0x3FA0] =	sst s0  }
0x9: {  	[smem:$0x3FA1] =	sst s1  }
0xa: {  	[smem:$0x3FA2] =	sst s2  }
0xb: {  	[smem:$0x3FA3] =	sst s3  }
0xc: {  	[smem:$0x3FA4] =	sst s4  }
0xd: {  	[smem:$0x3FA5] =	sst s5  }
0xe: {  	[smem:$0x3FA6] =	sst s6  }
0xf: {  	[smem:$0x3FA7] =	sst s7  }
0x10: {  	[smem:$0x3FA8] =	sst s8  }
0x11: {  	[smem:$0x3FA9] =	sst s9;
	s0 =	simm.s32 @!p0 $0x0  }
0x12: {  	s1 =	sld [smem:$0x3F8F];
	s0 =	simm.s32 @p0 $0x1  }
0x13: {  	[smem:$0x3FAA] =	sst s0;
	s0 =	simm.s32 @!p1 $0x0  }
0x14: {  	s2 =	sld [smem:$0x3F8E];
	s0 =	simm.s32 @p1 $0x1  }
0x15: {  	[smem:$0x3FAB] =	sst s0;
	s0 =	simm.s32 @!p2 $0x0  }
0x16: {  	s3 =	sld [smem:$0x3FDB];
	s0 =	simm.s32 @p2 $0x1  }
0x17: {  	s4 =	simm.s32 $0x1BF5;
	[smem:$0x3FAD] =	sst s0  }
0x18: {  	s0 =	sld [smem:$0x3F90];
	_ =	swait.ge [sflag:s4], $0x0  }
0x19: {  	s7 =	sld [smem:$0x3F91]  }
0x1a: {  	s8 =	sadd.s32 $0xFFFFE003, lr  }
0x1b: {  	s9 =	sadd.s32 $0xFFFFFEF7, lr;
	s5 =	simm.s32 $0xFFFFFFFF;
	p2 =	slt.u32 s8, $0xFFFFF086  }
0x1c: {  	p1 =	slt.u32 s9, $0xF7A;
	s5 =	simm.s32 @!p2 $0x0  }
0x1d: {  	s5 =	simm.s32 @p1 $0x1;
	p0 =	seq.s32 s7, s2  }
0x1e: {  	s7 =	smul.u32 @!p0 $0xF7A, s2;
	p2 =	seq.s32 @!p0 s5, $0x0  }
0x1f: {  	s9 =	smul.u32 $0xF7A, s1;
	s8 =	simm.s32 @!p0 $0x1BF5;
	p2 =	por !p2, p0  }
0x20: {  	[sflag:s8] =	ssyncset.s32 @!p0 $0xFFFFF086;
	s6 =	sadd.s32 @!p0 s3, s7;
	s7 =	simm.s32 @!p0 $0x108  }
0x21: {  	s3 =	sadd.s32 s3, s9;
	s6 =	sadd.s32 @!p0 $0x88, s6;
	s7 =	simm.s32 @p2 $0x1082  }
0x22: {  	[simem:s7], [sflag:s8] =	dma.local @!p0 [hbm:s6], $0xF7A  }
0x23: {  	s9 =	sor.u32 $0xD0000000, s2;
	s6 =	simm.s32 $0x108;
	_ =	swait.ge @!p0 [sflag:s8], $0x0  }
0x24: {  	s3 =	sadd.s32 $0x88, s3;
	s6 =	simm.s32 @!p1 $0x1082;
	[sflag:s4] =	ssyncset.s32 $0xFFFFF086  }
0x25: {  	[simem:s6], [sflag:s4] =	dma.local [hbm:s3], $0xF7A  }
0x26: {  	[smem:$0x3F91] =	sst s1;
	(tag) =	ssettag s2;
	_ =	strace s9  }
0x27: {  	s1 =	sld [smem:$0x3FA1]  }
0x28: {  	s2 =	sld [smem:$0x3FA2]  }
0x29: {  	s4 =	sld [smem:$0x3FA4]  }
0x2a: {  	p0 =	seq.s32 s5, $0x0;
	s5 =	sld [smem:$0x3FA5]  }
0x2b: {  	s6 =	sld [smem:$0x3FA6]  }
0x2c: {  	s7 =	sld [smem:$0x3FA7]  }
0x2d: {  	s3 =	simm.s32 $0x108;
	s8 =	sld [smem:$0x3FA8]  }
0x2e: {  	s3 =	simm.s32 @!p0 $0x1082;
	s9 =	sld [smem:$0x3FA9]  }
0x2f: {  	lr =	sadd.s32 s0, s3;
	s0 =	sld [smem:$0x3FA0]  }
0x30: {  	s3 =	sld [smem:$0x3FA3]  }
0x31: {  	[smem:$0x3FAC] =	sst s10  }
0x32: {  	s10 =	sld [smem:$0x3FAA];
	_ =	sdelay $0x3  }
0x33: {  	p0 =	seq.s32 s10, $0x1;
	s10 =	sld [smem:$0x3FAC];
	_ =	sdelay $0x3  }
0x34: {  	[smem:$0x3FAC] =	sst s10  }
0x35: {  	s10 =	sld [smem:$0x3FAB];
	_ =	sdelay $0x3  }
0x36: {  	p1 =	seq.s32 s10, $0x1;
	s10 =	sld [smem:$0x3FAC];
	_ =	sdelay $0x3  }
0x37: {  	[smem:$0x3FAC] =	sst s10  }
0x38: {  	s10 =	sld [smem:$0x3FAD]  }
0x39: {  	_ = 	snop;
	(pc) =	sbr.ind lr, $3  }
0x3a: {  	_ = 	snop  }
0x3b: {  	_ = 	snop  }
0x3c: {  	p2 =	seq.s32 s10, $0x1;
	s10 =	sld [smem:$0x3FAC]  }
0x3d: {  	_ =	shalt  }
0x3e: {  	_ =	shalt  }
0x3f: {  	_ =	shalt  }
0x40: {  	_ =	shalt  }
0x41: {  	_ =	shalt  }
0x42: {  	_ =	shalt  }
0x43: {  	_ =	shalt  }
0x44: {  	_ =	shalt  }
0x45: {  	_ =	shalt  }
0x46: {  	_ =	shalt  }
0x47: {  	_ =	shalt  }
0x48: {  	_ =	shalt  }
0x49: {  	_ =	shalt  }
0x4a: {  	_ =	shalt  }
0x4b: {  	_ =	shalt  }
0x4c: {  	_ =	shalt  }
0x4d: {  	_ =	shalt  }
0x4e: {  	_ =	shalt  }
0x4f: {  	_ =	shalt  }
0x50: {  	_ =	shalt  }
0x51: {  	_ =	shalt  }
0x52: {  	_ =	shalt  }
0x53: {  	_ =	shalt  }
0x54: {  	_ =	shalt  }
0x55: {  	_ =	shalt  }
0x56: {  	_ =	shalt  }
0x57: {  	_ =	shalt  }
0x58: {  	_ =	shalt  }
0x59: {  	_ =	shalt  }
0x5a: {  	_ =	shalt  }
0x5b: {  	_ =	shalt  }
0x5c: {  	_ =	shalt  }
0x5d: {  	_ =	shalt  }
0x5e: {  	_ =	shalt  }
0x5f: {  	_ =	shalt  }
0x60: {  	_ =	shalt  }
0x61: {  	_ =	shalt  }
0x62: {  	_ =	shalt  }
0x63: {  	_ =	shalt  }
0x64: {  	_ =	shalt  }
0x65: {  	_ =	shalt  }
0x66: {  	_ =	shalt  }
0x67: {  	_ =	shalt  }
0x68: {  	_ =	shalt  }
0x69: {  	_ =	shalt  }
0x6a: {  	_ =	shalt  }
0x6b: {  	_ =	shalt  }
0x6c: {  	_ =	shalt  }
0x6d: {  	_ =	shalt  }
0x6e: {  	_ =	shalt  }
0x6f: {  	_ =	shalt  }
0x70: {  	_ =	shalt  }
0x71: {  	_ =	shalt  }
0x72: {  	_ =	shalt  }
0x73: {  	_ =	shalt  }
0x74: {  	_ =	shalt  }
0x75: {  	_ =	shalt  }
0x76: {  	_ =	shalt  }
0x77: {  	_ =	shalt  }
0x78: {  	_ =	shalt  }
0x79: {  	_ =	shalt  }
0x7a: {  	_ =	shalt  }
0x7b: {  	_ =	shalt  }
0x7c: {  	_ =	shalt  }
0x7d: {  	_ =	shalt  }
0x7e: {  	_ =	shalt  }
0x7f: {  	_ =	shalt  }
0x80: {  	_ =	shalt  }
0x81: {  	_ =	shalt  }
0x82: {  	_ =	shalt  }
0x83: {  	_ =	shalt  }
0x84: {  	_ =	shalt  }
0x85: {  	_ =	shalt  }
0x86: {  	_ =	shalt  }
0x87: {  	_ =	shalt  }
.Lfunc_end0:
.L_simem_size_0:
called_computation_lowered:
.L_overlay_start_0:
0x88: {  	s2 =	sld [smem:$0x3FD9]  }
0x89: {  	s3 =	sld [smem:$0x3FFE];
	_ =	sdelay $0x1  }
0x8a: {  	s1 =	srdreg.scid  }
0x8b: {  	s0 =	sand.u32 $0x1, s1  }
0x8c: {  	s17 =	sshll.u32 s0, $0xA;
	s2 =	sadd.s32 s3, s2  }
0x8d: {  	s2 =	sadd.s32 s2, s17  }
0x8e: {  	[smem:$0x3FB8] =	sst s2  }
0x8f: {  	_ = 	snop  }
0x90: {  	s2 =	sld [smem:$0x3FC8]  }
0x91: {  	s18 =	sld [smem:$0x3FD0];
	(tm) =	ssettm $0x1  }
0x92: {  	s4 =	sld [smem:$0x3FFB];
	_ =	sdelay $0x3  }
0x93: {  	_ =	strace s4  }
0x94: {  	s4 =	sld [smem:$0x3FFC];
	_ =	sdelay $0x3  }
0x95: {  	_ =	strace s4  }
0x96: {  	s4 =	sld [smem:$0x3FFD];
	_ =	sdelay $0x3  }
0x97: {  	_ =	strace s4  }
0x98: {  	_ =	strace $0x8FFFFFFF  }
0x99: {  	s19 =	sld [smem:$0x3FDB];
	_ =	sdelay $0x1  }
0x9a: {  	s5 =	simm.s32 $_scs_section_size  }
0x9b: {  	s6 =	simm.s32 $_size__tile_overlayer_lowered;
	s7 =	simm.s32 $_tile_overlayer_lowered  }
0x9c: {  	s22 =	simm.s32 $0x1BFF;
	s21 =	sshll.u32 s7, $0x1;
	s4 =	sadd.s32 s5, s19  }
0x9d: {  	s8 =	simm.s32 $0x0;
	s20 =	sshll.u32 s6, $0x1;
	s6 =	sadd.s32 s21, s4  }
0x9e: {  	[timem:s8], [sflag:s22] =	dma.local [hbm:s6], s20  }
0x9f: {  	_ =	swait.ge [sflag:s22], s20  }
0xa0: {  	s5 =	ssub.s32 $0x0, s20;
	[sflag:s22] =	ssyncset.done $0x0  }
0xa1: {  	[sflag:s22] =	ssyncadd.s32 s5;
	_ =	sdelay $0x1  }
0xa2: {  	s23 =	simm.s32 $0x1B8B  }
0xa3: {  	_ =	swait.ge [sflag:s23], $0x1  }
0xa4: {  	[sflag:s23] =	ssyncset.done $0x0  }
0xa5: {  	s25 =	simm.s32 $0x1B8E;
	s24 =	sld [smem:$0x3FFE];
	[sflag:s23] =	ssyncadd.s32 $0xFFFFFFFF  }
0xa6: {  	s26 =	simm.s32 $execute0_lowered;
	[smem:$0x3FD2] =	sst s25  }
0xa7: {  	s6 =	sshll.u32 s26, $0x1;
	_ =	strace $0x80000046;
	[dreg:$0x1] =	wrdreg $0xFFFFFFFF  }
0xa8: {  	s28 =	simm.s32 $_size_execute0_lowered;
	s4 =	sadd.s32 s4, s6;
	[dreg:$0x0] =	wrdreg $0x0  }
0xa9: {  	s6 =	sshll.u32 s28, $0x1;
	[dreg:$0x2] =	wrdreg s4  }
0xaa: {  	[dreg:$0x3] =	wrdreg s6  }
0xab: {  	[dreg:$0x4] =	wrdreg $0xC0  }
0xac: {  	_ =	task [dreg:s8], $0x5FFFF  }
0xad: {  	[dreg:$0x1] =	wrdreg $0xFFFFFFFF  }
0xae: {  	[dreg:$0x0] =	wrdreg $0x60  }
0xaf: {  	[dreg:$0x2] =	wrdreg s2  }
0xb0: {  	[dreg:$0x3] =	wrdreg s24  }
0xb1: {  	[dreg:$0x4] =	wrdreg s18  }
0xb2: {  	[dreg:$0x5] =	wrdreg $0x9  }
0xb3: {  	_ =	task.clear_ibuf [dreg:s8], $0x6FFFF;
	_ =	strace $0x90000046  }
0xb4: {  	s29 =	simm.s32 $0x9;
	_ =	strace $0x8000004D  }
0xb5: {  	_ =	swait.ge [sflag:s29], $0x1  }
0xb6: {  	[sflag:s29] =	ssyncadd.s32 $0xFFFFFFFF  }
0xb7: {  	_ =	strace $0x9000004D  }
0xb8: {  	_ =	sfence  }
0xb9: {  	s30 =	sld [smem:$0x0];
	_ =	sdelay $0x2  }
0xba: {  	s31 =	sshll.u32 s1, $0xD;
	s1 =	sshrl.u32 s1, $0x2  }
0xbb: {  	s3 =	sand.u32 $0x4000, s31;
	s1 =	sadd.s32 s1, s30  }
0xbc: {  	s0 =	sor.u32 s3, s0;
	s1 =	sshll.u32 s1, $0x11  }
0xbd: {  	s0 =	sor.u32 s1, s0  }
0xbe: {  	s0 =	sadd.s32 $0x8F2B, s0  }
0xbf: {  	[sflag:s0] =	ssyncadd.remote.s32 $0x1  }
0xc0: {  	_ =	sfence.sel $0xFFFF  }
0xc1: {  	[dreg:$0x0] =	wrdreg $0xFFFFFFFF;
	(pc) =	sbr.abs _section_cstart, $3  }
0xc2: {  	[dreg:$0x1] =	wrdreg $0xFFFFFFFF  }
0xc3: {  	_ =	task.clear_ibuf [dreg:s8], $0x2FFFF;
	_ =	strace $0x9FFFFFFF  }
0xc4: {  	(tm) =	ssettm $0x7FFFFFFF  }
0xc5: {  	_ =	shalt  }
tec
execute0_lowered:
.L_overlay_start_1:
0x0: {  	(tag) =	ssettag $0x1  }
0x1: {  	s2 =	srdreg.scid  }
0x2: {  	s1 =	rddreg [dreg:$0x0];
	s0 =	stileid.u32;
	s9 =	sand.u32 $0x1, s2  }
0x3: {  	s4 =	rddreg [dreg:$0x1];
	s6 =	sshll.u32 s0, $0x8;
	s5 =	sshll.u32 s9, $0xC  }
0x4: {  	s10 =	rddreg [dreg:$0x2];
	s3 =	simm.s32 $0x0;
	s11 =	sor.u32 s6, s5  }
0x5: {  	[smem:$0x7FF] =	sst s3;
	s5 =	sshrl.u32 s11, $0x3  }
0x6: {  	s2 =	rddreg [dreg:$0x3];
	_ =	strace $0x80000047;
	s4 =	sadd.s32 s5, s4  }
0x7: {  	_ =	strace $0x80000048;
	s4 =	sadd.s32 $0x2000, s4  }
0x8: {  	[tilespmem:s3], [sflag:$0x1] =	stream.linear.gather [hbm4b:s4+s3], $0x100, $0x200038;
	[tilespmem:$0x10200] =	vst v63  }
0x9: {  	_ =	strace $0x90000048  }
0xa: {  	s5 =	simm.s32 $0x1;
	_ =	strace $0x80000049  }
0xb: {  	_ =	swait.ge [sflag:s5], $0x100  }
0xc: {  	[sflag:s5] =	ssyncset.done $0x0  }
0xd: {  	[sflag:s5] =	ssyncadd.s32 $0xFFFFFF00  }
0xe: {  	s7 =	simm.s32 $0x200;
	_ =	strace $0x90000049  }
0xf: {  	s8 =	simm.s32 $0x5;
	s6 =	simm.s32 $0x100;
	_ =	strace $0x8000004A  }
0x10: {  	[tilespmem:s7], [sflag:$0x5] =	stream.indirect.gather [hbm4b:s1+s6], $0x80, s3, s6, $0x2000b8;
	[tilespmem:$0x10200] =	vst v63  }
0x11: {  	s12 =	ssub.s32 $0x2, s9;
	_ =	swait.ge [sflag:s8], $0x8000  }
0x12: {  	s30 =	sshrl.u32 s12, $0x1;
	[sflag:s8] =	ssyncset.done $0x0  }
0x13: {  	s11 =	sshll.u32 s11, $0x4;
	s31 =	ssub.s32 s12, s30;
	[sflag:s8] =	ssyncadd.s32 $0xFFFF8000  }
0x14: {  	s9 =	sadd.s32 s10, s11;
	s11 =	smax.u32 s31, $0x1;
	_ =	strace $0x9000004A  }
0x15: {  	p0 =	sne.s32 s11, $0x1;
	_ =	strace $0x8000004B  }
0x16: {  	[hbm4b:s9+s3] =	stream.linear.scatter [tilespmem:s7], [sflag:$0x3], $0x8000, $0x200038;
	[tilespmem:$0x10200] =	vst v63  }
.Ltmp0:
0x17: {  	_ =	strace $0x9000004B;
	(pc) =	sbr.rel @!p0 .LBB2_2-.Ltmp0, $4  }
0x18: {  	s10 =	simm.s32 $0x3;
	_ =	strace $0x8000004C  }
0x19: {  	_ =	swait.ge [sflag:s10], $0x8000  }
0x1a: {  	[sflag:s10] =	ssyncset.done $0x0  }
0x1b: {  	s11 =	sadd.s32 $0xFFFFFFFF, s11;
	[sflag:s10] =	ssyncadd.s32 $0xFFFF8000  }
.LBB2_1:
0x1c: {  	p0 =	sne.s32 s11, $0x1;
	s11 =	sadd.s32 $0xFFFFFFFF, s11;
	_ =	strace $0x9000004C  }
0x1d: {  	_ =	strace $0x80000048  }
0x1e: {  	[tilespmem:s3], [sflag:$0x1] =	stream.linear.gather [hbm4b:s4+s3], $0x100, $0x200038;
	[tilespmem:$0x10200] =	vst v63  }
0x1f: {  	_ =	strace $0x90000048  }
0x20: {  	_ =	strace $0x80000049  }
0x21: {  	_ =	swait.ge [sflag:s5], $0x100  }
0x22: {  	[sflag:s5] =	ssyncset.done $0x0  }
0x23: {  	[sflag:s5] =	ssyncadd.s32 $0xFFFFFF00  }
0x24: {  	_ =	strace $0x90000049  }
0x25: {  	_ =	strace $0x8000004A  }
0x26: {  	[tilespmem:s7], [sflag:$0x5] =	stream.indirect.gather [hbm4b:s1+s6], $0x80, s3, s6, $0x2000b8;
	[tilespmem:$0x10200] =	vst v63  }
0x27: {  	_ =	swait.ge [sflag:s8], $0x8000  }
0x28: {  	[sflag:s8] =	ssyncset.done $0x0  }
0x29: {  	[sflag:s8] =	ssyncadd.s32 $0xFFFF8000  }
0x2a: {  	_ =	strace $0x9000004A  }
0x2b: {  	_ =	strace $0x8000004B  }
0x2c: {  	[hbm4b:s9+s3] =	stream.linear.scatter [tilespmem:s7], [sflag:$0x3], $0x8000, $0x200038;
	[tilespmem:$0x10200] =	vst v63  }
.Ltmp1:
0x2d: {  	_ =	strace $0x9000004B;
	(pc) =	sbr.rel @p0 .LBB2_1-.Ltmp1, $4  }
0x2e: {  	_ =	strace $0x8000004C  }
0x2f: {  	_ =	swait.ge [sflag:s10], $0x8000  }
0x30: {  	[sflag:s10] =	ssyncset.done $0x0  }
0x31: {  	[sflag:s10] =	ssyncadd.s32 $0xFFFF8000  }
.LBB2_2:
0x32: {  	_ =	strace $0x9000004C  }
0x33: {  	_ =	sfence.sel $0x180000  }
0x34: {  	[bflag:$0x0] =	sbarrier.arrive $0xFFFF  }
0x35: {  	p0 =	sne.s32 s0, $0x0;
	_ =	strace $0x90000047  }
0x36: {  	s0 =	sadd.s32 @!p0 $0x100000, s2;
	[bflag:$0x2] =	sbarrier.arrive $0xFFFF  }
0x37: {  	[sflag:s0] =	ssyncadd.tile.s32 @!p0 $0x1;
	_ =	shalt  }
.Lfunc_end2:
_tile_overlayer_lowered:
.L_overlay_start_2:
0x38: {  	(tag) =	ssettag $0x2  }
0x39: {  	s0 =	rddreg [dreg:$0x0];
	s2 =	stileid.u32  }
0x3a: {  	s1 =	rddreg [dreg:$0x1];
	p0 =	sne.s32 s2, $0x0  }
0x3b: {  	s3 =	rddreg [dreg:$0x2];
	[bflag:$0x3] =	sbarrier.arrive $0xFFFF;
	s2 =	simm.s32 @!p0 $0x1C01  }
0x3c: {  	[timem:s3], [sflag:s2] =	dma.local @!p0 [hbm:s0], s1  }
0x3d: {  	s0 =	simm.s32 @!p0 $0x1  }
0x3e: {  	_ =	swait.ge @!p0 [sflag:s0], s1  }
0x3f: {  	s1 =	ssub.s32 @!p0 $0x0, s1;
	[sflag:s0] =	ssyncset.done @!p0 $0x0  }
0x40: {  	[sflag:s0] =	ssyncadd.s32 @!p0 s1  }
0x41: {  	[bflag:$0x3] =	sbarrier.arrive $0xFFFF  }
0x42: {  	_ =	shalt  }

</sc_bundles>
